<compile_context>
chip_gen: v7x
topology: tpu7x:2x2x1
jax: 0.10.2.dev20260603
libtpu: 0.0.44.dev20260713+nightly
codegen_flags: <defaults>
</compile_context>

<pallas_src>
import functools

import jax
import jax.numpy as jnp
from jax.experimental import pallas as pl
from jax.experimental.pallas import tpu as pltpu
from jax.experimental.pallas import tpu_sc as plsc

B = 512
N0, N1 = 20, 10
F = 128
H0, H1 = 64, 32

GRID = 8
C0 = B // GRID
C1 = C0 * N0


NW = 32
R2 = B * N0 * N1
R1 = B * N0
ROWS_OUT_W = R1 // NW
ROWS_IN_W = ROWS_OUT_W * N1
CHUNK_O = 20
CHUNK_I = CHUNK_O * N1
NCH = ROWS_OUT_W // CHUNK_O


def _sc_seg_mean(x2):
    mesh = plsc.VectorSubcoreMesh(core_axis_name="c", subcore_axis_name="s")

    @functools.partial(
        pl.kernel,
        out_type=jax.ShapeDtypeStruct((R1, F), jnp.float32),
        mesh=mesh,
        scratch_types=[
            pltpu.VMEM((CHUNK_I, F), jnp.float32),
            pltpu.VMEM((CHUNK_I, F), jnp.float32),
            pltpu.VMEM((ROWS_OUT_W, F), jnp.float32),
            pltpu.SemaphoreType.DMA,
            pltpu.SemaphoreType.DMA,
        ],
    )
    def k(x2_hbm, out_hbm, buf0, buf1, out_v, sem0, sem1):
        wid = jax.lax.axis_index("s") * 2 + jax.lax.axis_index("c")
        base_in = wid * ROWS_IN_W

        def start(c, buf, sem):
            pltpu.async_copy(
                x2_hbm.at[pl.ds(base_in + c * CHUNK_I, CHUNK_I)], buf, sem)

        def wait(buf, sem):
            pltpu.make_async_copy(
                x2_hbm.at[pl.ds(base_in, CHUNK_I)], buf, sem).wait()

        def compute(c, buf):
            def row(r, carry):
                for f in range(F // 16):
                    sl = pl.ds(f * 16, 16)
                    acc = buf[r * N1, sl]
                    for j in range(1, N1):
                        acc = acc + buf[r * N1 + j, sl]
                    out_v[c * CHUNK_O + r, sl] = acc * (1.0 / N1)
                return carry
            jax.lax.fori_loop(0, CHUNK_O, row, 0)

        start(0, buf0, sem0)

        def pair(g, carry):
            start(2 * g + 1, buf1, sem1)
            wait(buf0, sem0)
            compute(2 * g, buf0)

            @pl.when(g < NCH // 2 - 1)
            def _():
                start(2 * g + 2, buf0, sem0)

            wait(buf1, sem1)
            compute(2 * g + 1, buf1)
            return carry

        jax.lax.fori_loop(0, NCH // 2, pair, 0)
        pltpu.sync_copy(out_v, out_hbm.at[pl.ds(wid * ROWS_OUT_W, ROWS_OUT_W)])

    return k(x2)



def _seg_mean(x, n, inner):
    R, Fdim = x.shape
    b = R // inner
    g = inner // n
    X3 = x.reshape(b, inner, Fdim)
    r_ids = jax.lax.broadcasted_iota(jnp.int32, (b, g, inner), 2)
    s_ids = jax.lax.broadcasted_iota(jnp.int32, (b, g, inner), 1)
    S = jnp.where(r_ids // n == s_ids, 1.0, 0.0).astype(x.dtype)
    out = jax.lax.dot_general(
        S, X3, (((2,), (1,)), ((0,), (0,))),
        preferred_element_type=jnp.float32)
    return out.reshape(R // n, Fdim) * (1.0 / n)


def _group(x0, x1f, a2, W0s, W0n, W1s, W1n):
    h1 = jnp.maximum(
        jnp.dot(x1f, W0s, preferred_element_type=jnp.float32)
        + jnp.dot(a2, W0n, preferred_element_type=jnp.float32), 0.0)
    a1 = _seg_mean(x1f, N0, 160)
    h0 = jnp.maximum(
        jnp.dot(x0, W0s, preferred_element_type=jnp.float32)
        + jnp.dot(a1, W0n, preferred_element_type=jnp.float32), 0.0)
    ah1 = _seg_mean(h1, N0, 160)
    return jnp.maximum(
        jnp.dot(h0, W1s, preferred_element_type=jnp.float32)
        + jnp.dot(ah1, W1n, preferred_element_type=jnp.float32), 0.0)


def _body_raw(x0_r, x1_r, x2_r, w0s_r, w0n_r, w1s_r, w1n_r, o_r):
    W0s = w0s_r[...]
    W0n = w0n_r[...]
    W1s = w1s_r[...]
    W1n = w1n_r[...]
    a2 = _seg_mean(x2_r[...], N1, 640)
    o_r[...] = _group(x0_r[...], x1_r[...], a2, W0s, W0n, W1s, W1n)


def _body_pre(x0n, x1n, a2n, w0s_r, w0n_r, w1s_r, w1n_r, on_r):
    on_r[...] = _group(x0n[...], x1n[...], a2n[...],
                       w0s_r[...], w0n_r[...], w1s_r[...], w1n_r[...])


@jax.jit
def kernel(x_src_0, x_src_1, x_src_2, x_dst_0, x_dst_1, x_dst_2,
           x_neg_0, x_neg_1, x_neg_2, W0_self, W0_neigh, W1_self, W1_neigh):
    x1_spec = pl.BlockSpec((C1, F), lambda i: (i, 0))
    x2_spec = pl.BlockSpec((C1 * N1, F), lambda i: (i, 0))
    x0_spec = pl.BlockSpec((C0, F), lambda i: (i, 0))
    out_spec = pl.BlockSpec((C0, H1), lambda i: (i, 0))
    w_specs = [
        pl.BlockSpec((F, H0), lambda i: (0, 0)),
        pl.BlockSpec((F, H0), lambda i: (0, 0)),
        pl.BlockSpec((H0, H1), lambda i: (0, 0)),
        pl.BlockSpec((H0, H1), lambda i: (0, 0)),
    ]

    a2_neg = _sc_seg_mean(x_neg_2)

    def one_group(x0, x1, x2):
        return pl.pallas_call(
            _body_raw,
            grid=(GRID,),
            in_specs=[x0_spec, x1_spec, x2_spec] + w_specs,
            out_specs=out_spec,
            out_shape=jax.ShapeDtypeStruct((B, H1), jnp.float32),
        )(x0, x1, x2, W0_self, W0_neigh, W1_self, W1_neigh)

    out_sd = (one_group(x_src_0, x_src_1, x_src_2),
              one_group(x_dst_0, x_dst_1, x_dst_2))

    out_n = pl.pallas_call(
        _body_pre,
        grid=(GRID,),
        in_specs=[x0_spec, x1_spec, x1_spec] + w_specs,
        out_specs=out_spec,
        out_shape=jax.ShapeDtypeStruct((B, H1), jnp.float32),
    )(x_neg_0, x_neg_1, a2_neg, W0_self, W0_neigh, W1_self, W1_neigh)

    return (out_sd[0], out_sd[1], out_n)

# --- scband reference (transcript-rebuilt; emitter-appended) ---
"""Pipeline reference for scband-gnn-58789512348198 (READ-ONLY COPY).

The authoritative reference and input builder live on the scoring server;
editing this copy changes nothing except your own understanding.
"""

import jax, jax.numpy as jnp
import numpy as np

NEIGH = (20, 10)


def _layer(self_feat, neigh_feat, n, Ws, Wn):
    # GraphSAGE mean aggregator: reshape flat neighbor block to [M, n, d], mean over n,
    # then separate self/neighbor linear transforms (SparseLayer/DenseLayer semantics).
    d = neigh_feat.shape[-1]
    agg = jnp.mean(neigh_feat.reshape(-1, n, d), axis=1)
    return self_feat @ Ws + agg @ Wn


def setup_inputs(seed: int = 0):
    key = jax.random.key(seed)
    ks = jax.random.split(key, 16)
    B, n0, n1, nfeat = 512, 20, 10, 128
    h0, h1 = 64, 32
    shapes = [(B, nfeat), (B * n0, nfeat), (B * n0 * n1, nfeat)]
    inp = {}
    k = 0
    for nm in ("x_src", "x_dst", "x_neg"):
        for i, sh in enumerate(shapes):
            inp[f"{nm}_{i}"] = jax.random.normal(ks[k], sh, dtype=jnp.float32)
            k += 1
    inp["W0_self"] = jax.random.normal(ks[9], (nfeat, h0), dtype=jnp.float32) / np.sqrt(nfeat)
    inp["W0_neigh"] = jax.random.normal(ks[10], (nfeat, h0), dtype=jnp.float32) / np.sqrt(nfeat)
    inp["W1_self"] = jax.random.normal(ks[11], (h0, h1), dtype=jnp.float32) / np.sqrt(h0)
    inp["W1_neigh"] = jax.random.normal(ks[12], (h0, h1), dtype=jnp.float32) / np.sqrt(h0)
    return inp


def reference(x_src_0, x_src_1, x_src_2, x_dst_0, x_dst_1, x_dst_2,
              x_neg_0, x_neg_1, x_neg_2, W0_self, W0_neigh, W1_self, W1_neigh):
    xs = [x_src_0, x_src_1, x_src_2]
    xd = [x_dst_0, x_dst_1, x_dst_2]
    xn = [x_neg_0, x_neg_1, x_neg_2]
    weights = [(W0_self, W0_neigh), (W1_self, W1_neigh)]
    num_layer = 2
    for L in range(num_layer):
        Ws, Wn = weights[L]
        ns, nd, nn = [], [], []
        for i in range(num_layer - L):
            h = jax.nn.relu(_layer(xs[i], xs[i + 1], NEIGH[i], Ws, Wn))
            hd = jax.nn.relu(_layer(xd[i], xd[i + 1], NEIGH[i], Ws, Wn))
            hn = jax.nn.relu(_layer(xn[i], xn[i + 1], NEIGH[i], Ws, Wn))
            # dropout at layer num_layer-2 is identity in eval mode (training=False)
            ns.append(h); nd.append(hd); nn.append(hn)
        xs, xd, xn = ns, nd, nn
    return (xs[0], xd[0], xn[0])

if __name__ == "__main__":
    import jax
    _d = setup_inputs()
    print(jax.jit(kernel)(*tuple(_d.values())))

</pallas_src>

<mosaic_0001>
#map = affine_map<(d0, d1) -> (0, 0)>
module attributes {stable_mosaic.version = 14 : i64} {
  func.func @k(%arg0: i32, %arg1: i32, %arg2: memref<102400x128xf32, #tpu.memory_space<hbm>>, %arg3: memref<10240x128xf32, #tpu.memory_space<hbm>>, %arg4: memref<200x128xf32, #tpu.memory_space<vmem>>, %arg5: memref<200x128xf32, #tpu.memory_space<vmem>>, %arg6: memref<320x128xf32, #tpu.memory_space<vmem>>, %arg7: memref<!tpu.dma_semaphore, #tpu.memory_space<semaphore_mem>>, %arg8: memref<!tpu.dma_semaphore, #tpu.memory_space<semaphore_mem>>) attributes {dimension_semantics = [#tpu.dimension_semantics<core_parallel>, #tpu.dimension_semantics<subcore_parallel>], iteration_bounds = array<i64: 2, 16>, scalar_prefetch = 0 : i64, scratch_operands = 5 : i64, tpu.core_type = #tpu.core_type<sc_vector_subcore>, window_params = [{transform_indices = #map}, {transform_indices = #map}]} {
    %mul3A = arith.constant 2 : i32
    %mul3A_0 = arith.muli %arg1, %mul3A : i32
    %add3A = arith.addi %mul3A_0, %arg0 : i32
    %mul3A_1 = arith.constant 3200 : i32
    %mul3A_2 = arith.muli %add3A, %mul3A_1 : i32
    %add3A_3 = arith.constant 0 : i32
    %add3A_4 = arith.addi %mul3A_2, %add3A_3 : i32
    %dma_start3A = arith.constant 0 : i32
    %dma_start3A_5 = tpu.memref_slice %arg2[%add3A_4, %dma_start3A] : memref<102400x128xf32, #tpu.memory_space<hbm>> -> memref<200x128xf32, #tpu.memory_space<hbm>>
    %dma_start3A_6 = arith.constant 0 : i32
    %dma_start3A_7 = tpu.memref_slice %arg2[%add3A_4, %dma_start3A_6] : memref<102400x128xf32, #tpu.memory_space<hbm>> -> memref<200x128xf32, #tpu.memory_space<hbm>>
    tpu.enqueue_dma source(%dma_start3A_7 : memref<200x128xf32, #tpu.memory_space<hbm>>) target(%arg4 : memref<200x128xf32, #tpu.memory_space<vmem>>) target_semaphore(%arg7 : memref<!tpu.dma_semaphore, #tpu.memory_space<semaphore_mem>>)
    %scan3A = arith.constant 0 : i32
    %scan3A_8 = arith.constant 0 : i32
    %scan3A_9 = arith.constant 8 : i32
    %scan3A_10 = arith.addi %scan3A_8, %scan3A_9 : i32
    %scan3A_11 = arith.constant 1 : i32
    scf.for %scan3A_15 = %scan3A_8 to %scan3A_10 step %scan3A_11  : i32 {
      %mul3A_16 = arith.constant 2 : i32
      %mul3A_17 = arith.muli %mul3A_16, %scan3A_15 : i32
      %add3A_18 = arith.constant 1 : i32
      %add3A_19 = arith.addi %mul3A_17, %add3A_18 : i32
      %mul3A_20 = arith.constant 200 : i32
      %mul3A_21 = arith.muli %add3A_19, %mul3A_20 : i32
      %add3A_22 = arith.addi %mul3A_2, %mul3A_21 : i32
      %dma_start3A_23 = arith.constant 0 : i32
      %dma_start3A_24 = tpu.memref_slice %arg2[%add3A_22, %dma_start3A_23] : memref<102400x128xf32, #tpu.memory_space<hbm>> -> memref<200x128xf32, #tpu.memory_space<hbm>>
      %dma_start3A_25 = arith.constant 0 : i32
      %dma_start3A_26 = tpu.memref_slice %arg2[%add3A_22, %dma_start3A_25] : memref<102400x128xf32, #tpu.memory_space<hbm>> -> memref<200x128xf32, #tpu.memory_space<hbm>>
      tpu.enqueue_dma source(%dma_start3A_26 : memref<200x128xf32, #tpu.memory_space<hbm>>) target(%arg5 : memref<200x128xf32, #tpu.memory_space<vmem>>) target_semaphore(%arg8 : memref<!tpu.dma_semaphore, #tpu.memory_space<semaphore_mem>>)
      %dma_wait3A = arith.constant 0 : i32
      %dma_wait3A_27 = tpu.memref_slice %arg2[%mul3A_2, %dma_wait3A] : memref<102400x128xf32, #tpu.memory_space<hbm>> -> memref<200x128xf32, #tpu.memory_space<hbm>>
      %dma_wait3A_28 = arith.constant 0 : i32
      %dma_wait3A_29 = tpu.memref_slice %arg2[%mul3A_2, %dma_wait3A_28] : memref<102400x128xf32, #tpu.memory_space<hbm>> -> memref<200x128xf32, #tpu.memory_space<hbm>>
      tpu.wait_dma2 semaphore(%arg7 : memref<!tpu.dma_semaphore, #tpu.memory_space<semaphore_mem>>) src(%dma_wait3A_29 : memref<200x128xf32, #tpu.memory_space<hbm>>) dst(%arg4 : memref<200x128xf32, #tpu.memory_space<vmem>>)
      %mul3A_30 = arith.constant 2 : i32
      %mul3A_31 = arith.muli %mul3A_30, %scan3A_15 : i32
      %scan3A_32 = arith.constant 0 : i32
      %scan3A_33 = arith.constant 0 : i32
      %scan3A_34 = arith.constant 20 : i32
      %scan3A_35 = arith.addi %scan3A_33, %scan3A_34 : i32
      %scan3A_36 = arith.constant 1 : i32
      scf.for %scan3A_54 = %scan3A_33 to %scan3A_35 step %scan3A_36  : i32 {
        %mul3A_55 = arith.constant 10 : i32
        %mul3A_56 = arith.muli %scan3A_54, %mul3A_55 : i32
        %get3A = arith.index_cast %mul3A_56 : i32 to index
        %get3A_57 = arith.constant 0 : index
        %get3A_58 = tpu.vector_load %arg4[%get3A, %get3A_57] {strides = array<i32>} : memref<200x128xf32, #tpu.memory_space<vmem>>, vector<1x16xf32>,
        %get3A_59 = vector.shape_cast %get3A_58 : vector<1x16xf32> to vector<16xf32>
        %mul3A_60 = arith.constant 10 : i32
        %mul3A_61 = arith.muli %scan3A_54, %mul3A_60 : i32
        %add3A_62 = arith.constant 1 : i32
        %add3A_63 = arith.addi %mul3A_61, %add3A_62 : i32
        %get3A_64 = arith.index_cast %add3A_63 : i32 to index
        %get3A_65 = arith.constant 0 : index
        %get3A_66 = tpu.vector_load %arg4[%get3A_64, %get3A_65] {strides = array<i32>} : memref<200x128xf32, #tpu.memory_space<vmem>>, vector<1x16xf32>,
        %get3A_67 = vector.shape_cast %get3A_66 : vector<1x16xf32> to vector<16xf32>
        %add3A_68 = arith.addf %get3A_59, %get3A_67 : vector<16xf32>
        %mul3A_69 = arith.constant 10 : i32
        %mul3A_70 = arith.muli %scan3A_54, %mul3A_69 : i32
        %add3A_71 = arith.constant 2 : i32
        %add3A_72 = arith.addi %mul3A_70, %add3A_71 : i32
        %get3A_73 = arith.index_cast %add3A_72 : i32 to index
        %get3A_74 = arith.constant 0 : index
        %get3A_75 = tpu.vector_load %arg4[%get3A_73, %get3A_74] {strides = array<i32>} : memref<200x128xf32, #tpu.memory_space<vmem>>, vector<1x16xf32>,
        %get3A_76 = vector.shape_cast %get3A_75 : vector<1x16xf32> to vector<16xf32>
        %add3A_77 = arith.addf %add3A_68, %get3A_76 : vector<16xf32>
        %mul3A_78 = arith.constant 10 : i32
        %mul3A_79 = arith.muli %scan3A_54, %mul3A_78 : i32
        %add3A_80 = arith.constant 3 : i32
        %add3A_81 = arith.addi %mul3A_79, %add3A_80 : i32
        %get3A_82 = arith.index_cast %add3A_81 : i32 to index
        %get3A_83 = arith.constant 0 : index
        %get3A_84 = tpu.vector_load %arg4[%get3A_82, %get3A_83] {strides = array<i32>} : memref<200x128xf32, #tpu.memory_space<vmem>>, vector<1x16xf32>,
        %get3A_85 = vector.shape_cast %get3A_84 : vector<1x16xf32> to vector<16xf32>
        %add3A_86 = arith.addf %add3A_77, %get3A_85 : vector<16xf32>
        %mul3A_87 = arith.constant 10 : i32
        %mul3A_88 = arith.muli %scan3A_54, %mul3A_87 : i32
        %add3A_89 = arith.constant 4 : i32
        %add3A_90 = arith.addi %mul3A_88, %add3A_89 : i32
        %get3A_91 = arith.index_cast %add3A_90 : i32 to index
        %get3A_92 = arith.constant 0 : index
        %get3A_93 = tpu.vector_load %arg4[%get3A_91, %get3A_92] {strides = array<i32>} : memref<200x128xf32, #tpu.memory_space<vmem>>, vector<1x16xf32>,
        %get3A_94 = vector.shape_cast %get3A_93 : vector<1x16xf32> to vector<16xf32>
        %add3A_95 = arith.addf %add3A_86, %get3A_94 : vector<16xf32>
        %mul3A_96 = arith.constant 10 : i32
        %mul3A_97 = arith.muli %scan3A_54, %mul3A_96 : i32
        %add3A_98 = arith.constant 5 : i32
        %add3A_99 = arith.addi %mul3A_97, %add3A_98 : i32
        %get3A_100 = arith.index_cast %add3A_99 : i32 to index
        %get3A_101 = arith.constant 0 : index
        %get3A_102 = tpu.vector_load %arg4[%get3A_100, %get3A_101] {strides = array<i32>} : memref<200x128xf32, #tpu.memory_space<vmem>>, vector<1x16xf32>,
        %get3A_103 = vector.shape_cast %get3A_102 : vector<1x16xf32> to vector<16xf32>
        %add3A_104 = arith.addf %add3A_95, %get3A_103 : vector<16xf32>
        %mul3A_105 = arith.constant 10 : i32
        %mul3A_106 = arith.muli %scan3A_54, %mul3A_105 : i32
        %add3A_107 = arith.constant 6 : i32
        %add3A_108 = arith.addi %mul3A_106, %add3A_107 : i32
        %get3A_109 = arith.index_cast %add3A_108 : i32 to index
        %get3A_110 = arith.constant 0 : index
        %get3A_111 = tpu.vector_load %arg4[%get3A_109, %get3A_110] {strides = array<i32>} : memref<200x128xf32, #tpu.memory_space<vmem>>, vector<1x16xf32>,
        %get3A_112 = vector.shape_cast %get3A_111 : vector<1x16xf32> to vector<16xf32>
        %add3A_113 = arith.addf %add3A_104, %get3A_112 : vector<16xf32>
        %mul3A_114 = arith.constant 10 : i32
        %mul3A_115 = arith.muli %scan3A_54, %mul3A_114 : i32
        %add3A_116 = arith.constant 7 : i32
        %add3A_117 = arith.addi %mul3A_115, %add3A_116 : i32
        %get3A_118 = arith.index_cast %add3A_117 : i32 to index
        %get3A_119 = arith.constant 0 : index
        %get3A_120 = tpu.vector_load %arg4[%get3A_118, %get3A_119] {strides = array<i32>} : memref<200x128xf32, #tpu.memory_space<vmem>>, vector<1x16xf32>,
        %get3A_121 = vector.shape_cast %get3A_120 : vector<1x16xf32> to vector<16xf32>
        %add3A_122 = arith.addf %add3A_113, %get3A_121 : vector<16xf32>
        %mul3A_123 = arith.constant 10 : i32
        %mul3A_124 = arith.muli %scan3A_54, %mul3A_123 : i32
        %add3A_125 = arith.constant 8 : i32
        %add3A_126 = arith.addi %mul3A_124, %add3A_125 : i32
        %get3A_127 = arith.index_cast %add3A_126 : i32 to index
        %get3A_128 = arith.constant 0 : index
        %get3A_129 = tpu.vector_load %arg4[%get3A_127, %get3A_128] {strides = array<i32>} : memref<200x128xf32, #tpu.memory_space<vmem>>, vector<1x16xf32>,
        %get3A_130 = vector.shape_cast %get3A_129 : vector<1x16xf32> to vector<16xf32>
        %add3A_131 = arith.addf %add3A_122, %get3A_130 : vector<16xf32>
        %mul3A_132 = arith.constant 10 : i32
        %mul3A_133 = arith.muli %scan3A_54, %mul3A_132 : i32
        %add3A_134 = arith.constant 9 : i32
        %add3A_135 = arith.addi %mul3A_133, %add3A_134 : i32
        %get3A_136 = arith.index_cast %add3A_135 : i32 to index
        %get3A_137 = arith.constant 0 : index
        %get3A_138 = tpu.vector_load %arg4[%get3A_136, %get3A_137] {strides = array<i32>} : memref<200x128xf32, #tpu.memory_space<vmem>>, vector<1x16xf32>,
        %get3A_139 = vector.shape_cast %get3A_138 : vector<1x16xf32> to vector<16xf32>
        %add3A_140 = arith.addf %add3A_131, %get3A_139 : vector<16xf32>
        %mul3A_141 = arith.constant 1.000000e-01 : f32
        %mul3A_142 = vector.broadcast %mul3A_141 : f32 to vector<16xf32>
        %mul3A_143 = arith.mulf %add3A_140, %mul3A_142 : vector<16xf32>
        %mul3A_144 = arith.constant 20 : i32
        %mul3A_145 = arith.muli %mul3A_31, %mul3A_144 : i32
        %add3A_146 = arith.addi %mul3A_145, %scan3A_54 : i32
        %swap3A = arith.index_cast %add3A_146 : i32 to index
        %swap3A_147 = arith.constant 0 : index
        %swap3A_148 = tpu.vector_load %arg6[%swap3A, %swap3A_147] {strides = array<i32>} : memref<320x128xf32, #tpu.memory_space<vmem>>, vector<1x16xf32>,
        %swap3A_149 = vector.shape_cast %swap3A_148 : vector<1x16xf32> to vector<16xf32>
        %swap3A_150 = vector.shape_cast %mul3A_143 : vector<16xf32> to vector<1x16xf32>
        tpu.vector_store %arg6[%swap3A, %swap3A_147], %swap3A_150 {strides = array<i32>} : memref<320x128xf32, #tpu.memory_space<vmem>>, vector<1x16xf32>,
        %mul3A_151 = arith.constant 10 : i32
        %mul3A_152 = arith.muli %scan3A_54, %mul3A_151 : i32
        %get3A_153 = arith.index_cast %mul3A_152 : i32 to index
        %get3A_154 = arith.constant 16 : index
        %get3A_155 = tpu.vector_load %arg4[%get3A_153, %get3A_154] {strides = array<i32>} : memref<200x128xf32, #tpu.memory_space<vmem>>, vector<1x16xf32>,
        %get3A_156 = vector.shape_cast %get3A_155 : vector<1x16xf32> to vector<16xf32>
        %mul3A_157 = arith.constant 10 : i32
        %mul3A_158 = arith.muli %scan3A_54, %mul3A_157 : i32
        %add3A_159 = arith.constant 1 : i32
        %add3A_160 = arith.addi %mul3A_158, %add3A_159 : i32
        %get3A_161 = arith.index_cast %add3A_160 : i32 to index
        %get3A_162 = arith.constant 16 : index
        %get3A_163 = tpu.vector_load %arg4[%get3A_161, %get3A_162] {strides = array<i32>} : memref<200x128xf32, #tpu.memory_space<vmem>>, vector<1x16xf32>,
        %get3A_164 = vector.shape_cast %get3A_163 : vector<1x16xf32> to vector<16xf32>
        %add3A_165 = arith.addf %get3A_156, %get3A_164 : vector<16xf32>
        %mul3A_166 = arith.constant 10 : i32
        %mul3A_167 = arith.muli %scan3A_54, %mul3A_166 : i32
        %add3A_168 = arith.constant 2 : i32
        %add3A_169 = arith.addi %mul3A_167, %add3A_168 : i32
        %get3A_170 = arith.index_cast %add3A_169 : i32 to index
        %get3A_171 = arith.constant 16 : index
        %get3A_172 = tpu.vector_load %arg4[%get3A_170, %get3A_171] {strides = array<i32>} : memref<200x128xf32, #tpu.memory_space<vmem>>, vector<1x16xf32>,
        %get3A_173 = vector.shape_cast %get3A_172 : vector<1x16xf32> to vector<16xf32>
        %add3A_174 = arith.addf %add3A_165, %get3A_173 : vector<16xf32>
        %mul3A_175 = arith.constant 10 : i32
        %mul3A_176 = arith.muli %scan3A_54, %mul3A_175 : i32
        %add3A_177 = arith.constant 3 : i32
        %add3A_178 = arith.addi %mul3A_176, %add3A_177 : i32
        %get3A_179 = arith.index_cast %add3A_178 : i32 to index
        %get3A_180 = arith.constant 16 : index
        %get3A_181 = tpu.vector_load %arg4[%get3A_179, %get3A_180] {strides = array<i32>} : memref<200x128xf32, #tpu.memory_space<vmem>>, vector<1x16xf32>,
        %get3A_182 = vector.shape_cast %get3A_181 : vector<1x16xf32> to vector<16xf32>
        %add3A_183 = arith.addf %add3A_174, %get3A_182 : vector<16xf32>
        %mul3A_184 = arith.constant 10 : i32
        %mul3A_185 = arith.muli %scan3A_54, %mul3A_184 : i32
        %add3A_186 = arith.constant 4 : i32
        %add3A_187 = arith.addi %mul3A_185, %add3A_186 : i32
        %get3A_188 = arith.index_cast %add3A_187 : i32 to index
        %get3A_189 = arith.constant 16 : index
        %get3A_190 = tpu.vector_load %arg4[%get3A_188, %get3A_189] {strides = array<i32>} : memref<200x128xf32, #tpu.memory_space<vmem>>, vector<1x16xf32>,
        %get3A_191 = vector.shape_cast %get3A_190 : vector<1x16xf32> to vector<16xf32>
        %add3A_192 = arith.addf %add3A_183, %get3A_191 : vector<16xf32>
        %mul3A_193 = arith.constant 10 : i32
        %mul3A_194 = arith.muli %scan3A_54, %mul3A_193 : i32
        %add3A_195 = arith.constant 5 : i32
        %add3A_196 = arith.addi %mul3A_194, %add3A_195 : i32
        %get3A_197 = arith.index_cast %add3A_196 : i32 to index
        %get3A_198 = arith.constant 16 : index
        %get3A_199 = tpu.vector_load %arg4[%get3A_197, %get3A_198] {strides = array<i32>} : memref<200x128xf32, #tpu.memory_space<vmem>>, vector<1x16xf32>,
        %get3A_200 = vector.shape_cast %get3A_199 : vector<1x16xf32> to vector<16xf32>
        %add3A_201 = arith.addf %add3A_192, %get3A_200 : vector<16xf32>
        %mul3A_202 = arith.constant 10 : i32
        %mul3A_203 = arith.muli %scan3A_54, %mul3A_202 : i32
        %add3A_204 = arith.constant 6 : i32
        %add3A_205 = arith.addi %mul3A_203, %add3A_204 : i32
        %get3A_206 = arith.index_cast %add3A_205 : i32 to index
        %get3A_207 = arith.constant 16 : index
        %get3A_208 = tpu.vector_load %arg4[%get3A_206, %get3A_207] {strides = array<i32>} : memref<200x128xf32, #tpu.memory_space<vmem>>, vector<1x16xf32>,
        %get3A_209 = vector.shape_cast %get3A_208 : vector<1x16xf32> to vector<16xf32>
        %add3A_210 = arith.addf %add3A_201, %get3A_209 : vector<16xf32>
        %mul3A_211 = arith.constant 10 : i32
        %mul3A_212 = arith.muli %scan3A_54, %mul3A_211 : i32
        %add3A_213 = arith.constant 7 : i32
        %add3A_214 = arith.addi %mul3A_212, %add3A_213 : i32
        %get3A_215 = arith.index_cast %add3A_214 : i32 to index
        %get3A_216 = arith.constant 16 : index
        %get3A_217 = tpu.vector_load %arg4[%get3A_215, %get3A_216] {strides = array<i32>} : memref<200x128xf32, #tpu.memory_space<vmem>>, vector<1x16xf32>,
        %get3A_218 = vector.shape_cast %get3A_217 : vector<1x16xf32> to vector<16xf32>
        %add3A_219 = arith.addf %add3A_210, %get3A_218 : vector<16xf32>
        %mul3A_220 = arith.constant 10 : i32
        %mul3A_221 = arith.muli %scan3A_54, %mul3A_220 : i32
        %add3A_222 = arith.constant 8 : i32
        %add3A_223 = arith.addi %mul3A_221, %add3A_222 : i32
        %get3A_224 = arith.index_cast %add3A_223 : i32 to index
        %get3A_225 = arith.constant 16 : index
        %get3A_226 = tpu.vector_load %arg4[%get3A_224, %get3A_225] {strides = array<i32>} : memref<200x128xf32, #tpu.memory_space<vmem>>, vector<1x16xf32>,
        %get3A_227 = vector.shape_cast %get3A_226 : vector<1x16xf32> to vector<16xf32>
        %add3A_228 = arith.addf %add3A_219, %get3A_227 : vector<16xf32>
        %mul3A_229 = arith.constant 10 : i32
        %mul3A_230 = arith.muli %scan3A_54, %mul3A_229 : i32
        %add3A_231 = arith.constant 9 : i32
        %add3A_232 = arith.addi %mul3A_230, %add3A_231 : i32
        %get3A_233 = arith.index_cast %add3A_232 : i32 to index
        %get3A_234 = arith.constant 16 : index
        %get3A_235 = tpu.vector_load %arg4[%get3A_233, %get3A_234] {strides = array<i32>} : memref<200x128xf32, #tpu.memory_space<vmem>>, vector<1x16xf32>,
        %get3A_236 = vector.shape_cast %get3A_235 : vector<1x16xf32> to vector<16xf32>
        %add3A_237 = arith.addf %add3A_228, %get3A_236 : vector<16xf32>
        %mul3A_238 = arith.constant 1.000000e-01 : f32
        %mul3A_239 = vector.broadcast %mul3A_238 : f32 to vector<16xf32>
        %mul3A_240 = arith.mulf %add3A_237, %mul3A_239 : vector<16xf32>
        %mul3A_241 = arith.constant 20 : i32
        %mul3A_242 = arith.muli %mul3A_31, %mul3A_241 : i32
        %add3A_243 = arith.addi %mul3A_242, %scan3A_54 : i32
        %swap3A_244 = arith.index_cast %add3A_243 : i32 to index
        %swap3A_245 = arith.constant 16 : index
        %swap3A_246 = tpu.vector_load %arg6[%swap3A_244, %swap3A_245] {strides = array<i32>} : memref<320x128xf32, #tpu.memory_space<vmem>>, vector<1x16xf32>,
        %swap3A_247 = vector.shape_cast %swap3A_246 : vector<1x16xf32> to vector<16xf32>
        %swap3A_248 = vector.shape_cast %mul3A_240 : vector<16xf32> to vector<1x16xf32>
        tpu.vector_store %arg6[%swap3A_244, %swap3A_245], %swap3A_248 {strides = array<i32>} : memref<320x128xf32, #tpu.memory_space<vmem>>, vector<1x16xf32>,
        %mul3A_249 = arith.constant 10 : i32
        %mul3A_250 = arith.muli %scan3A_54, %mul3A_249 : i32
        %get3A_251 = arith.index_cast %mul3A_250 : i32 to index
        %get3A_252 = arith.constant 32 : index
        %get3A_253 = tpu.vector_load %arg4[%get3A_251, %get3A_252] {strides = array<i32>} : memref<200x128xf32, #tpu.memory_space<vmem>>, vector<1x16xf32>,
        %get3A_254 = vector.shape_cast %get3A_253 : vector<1x16xf32> to vector<16xf32>
        %mul3A_255 = arith.constant 10 : i32
        %mul3A_256 = arith.muli %scan3A_54, %mul3A_255 : i32
        %add3A_257 = arith.constant 1 : i32
        %add3A_258 = arith.addi %mul3A_256, %add3A_257 : i32
        %get3A_259 = arith.index_cast %add3A_258 : i32 to index
        %get3A_260 = arith.constant 32 : index
        %get3A_261 = tpu.vector_load %arg4[%get3A_259, %get3A_260] {strides = array<i32>} : memref<200x128xf32, #tpu.memory_space<vmem>>, vector<1x16xf32>,
        %get3A_262 = vector.shape_cast %get3A_261 : vector<1x16xf32> to vector<16xf32>
        %add3A_263 = arith.addf %get3A_254, %get3A_262 : vector<16xf32>
        %mul3A_264 = arith.constant 10 : i32
        %mul3A_265 = arith.muli %scan3A_54, %mul3A_264 : i32
        %add3A_266 = arith.constant 2 : i32
        %add3A_267 = arith.addi %mul3A_265, %add3A_266 : i32
        %get3A_268 = arith.index_cast %add3A_267 : i32 to index
        %get3A_269 = arith.constant 32 : index
        %get3A_270 = tpu.vector_load %arg4[%get3A_268, %get3A_269] {strides = array<i32>} : memref<200x128xf32, #tpu.memory_space<vmem>>, vector<1x16xf32>,
        %get3A_271 = vector.shape_cast %get3A_270 : vector<1x16xf32> to vector<16xf32>
        %add3A_272 = arith.addf %add3A_263, %get3A_271 : vector<16xf32>
        %mul3A_273 = arith.constant 10 : i32
        %mul3A_274 = arith.muli %scan3A_54, %mul3A_273 : i32
        %add3A_275 = arith.constant 3 : i32
        %add3A_276 = arith.addi %mul3A_274, %add3A_275 : i32
        %get3A_277 = arith.index_cast %add3A_276 : i32 to index
        %get3A_278 = arith.constant 32 : index
        %get3A_279 = tpu.vector_load %arg4[%get3A_277, %get3A_278] {strides = array<i32>} : memref<200x128xf32, #tpu.memory_space<vmem>>, vector<1x16xf32>,
        %get3A_280 = vector.shape_cast %get3A_279 : vector<1x16xf32> to vector<16xf32>
        %add3A_281 = arith.addf %add3A_272, %get3A_280 : vector<16xf32>
        %mul3A_282 = arith.constant 10 : i32
        %mul3A_283 = arith.muli %scan3A_54, %mul3A_282 : i32
        %add3A_284 = arith.constant 4 : i32
        %add3A_285 = arith.addi %mul3A_283, %add3A_284 : i32
        %get3A_286 = arith.index_cast %add3A_285 : i32 to index
        %get3A_287 = arith.constant 32 : index
        %get3A_288 = tpu.vector_load %arg4[%get3A_286, %get3A_287] {strides = array<i32>} : memref<200x128xf32, #tpu.memory_space<vmem>>, vector<1x16xf32>,
        %get3A_289 = vector.shape_cast %get3A_288 : vector<1x16xf32> to vector<16xf32>
        %add3A_290 = arith.addf %add3A_281, %get3A_289 : vector<16xf32>
        %mul3A_291 = arith.constant 10 : i32
        %mul3A_292 = arith.muli %scan3A_54, %mul3A_291 : i32
        %add3A_293 = arith.constant 5 : i32
        %add3A_294 = arith.addi %mul3A_292, %add3A_293 : i32
        %get3A_295 = arith.index_cast %add3A_294 : i32 to index
        %get3A_296 = arith.constant 32 : index
        %get3A_297 = tpu.vector_load %arg4[%get3A_295, %get3A_296] {strides = array<i32>} : memref<200x128xf32, #tpu.memory_space<vmem>>, vector<1x16xf32>,
        %get3A_298 = vector.shape_cast %get3A_297 : vector<1x16xf32> to vector<16xf32>
        %add3A_299 = arith.addf %add3A_290, %get3A_298 : vector<16xf32>
        %mul3A_300 = arith.constant 10 : i32
        %mul3A_301 = arith.muli %scan3A_54, %mul3A_300 : i32
        %add3A_302 = arith.constant 6 : i32
        %add3A_303 = arith.addi %mul3A_301, %add3A_302 : i32
        %get3A_304 = arith.index_cast %add3A_303 : i32 to index
        %get3A_305 = arith.constant 32 : index
        %get3A_306 = tpu.vector_load %arg4[%get3A_304, %get3A_305] {strides = array<i32>} : memref<200x128xf32, #tpu.memory_space<vmem>>, vector<1x16xf32>,
        %get3A_307 = vector.shape_cast %get3A_306 : vector<1x16xf32> to vector<16xf32>
        %add3A_308 = arith.addf %add3A_299, %get3A_307 : vector<16xf32>
        %mul3A_309 = arith.constant 10 : i32
        %mul3A_310 = arith.muli %scan3A_54, %mul3A_309 : i32
        %add3A_311 = arith.constant 7 : i32
        %add3A_312 = arith.addi %mul3A_310, %add3A_311 : i32
        %get3A_313 = arith.index_cast %add3A_312 : i32 to index
        %get3A_314 = arith.constant 32 : index
        %get3A_315 = tpu.vector_load %arg4[%get3A_313, %get3A_314] {strides = array<i32>} : memref<200x128xf32, #tpu.memory_space<vmem>>, vector<1x16xf32>,
        %get3A_316 = vector.shape_cast %get3A_315 : vector<1x16xf32> to vector<16xf32>
        %add3A_317 = arith.addf %add3A_308, %get3A_316 : vector<16xf32>
        %mul3A_318 = arith.constant 10 : i32
        %mul3A_319 = arith.muli %scan3A_54, %mul3A_318 : i32
        %add3A_320 = arith.constant 8 : i32
        %add3A_321 = arith.addi %mul3A_319, %add3A_320 : i32
        %get3A_322 = arith.index_cast %add3A_321 : i32 to index
        %get3A_323 = arith.constant 32 : index
        %get3A_324 = tpu.vector_load %arg4[%get3A_322, %get3A_323] {strides = array<i32>} : memref<200x128xf32, #tpu.memory_space<vmem>>, vector<1x16xf32>,
        %get3A_325 = vector.shape_cast %get3A_324 : vector<1x16xf32> to vector<16xf32>
        %add3A_326 = arith.addf %add3A_317, %get3A_325 : vector<16xf32>
        %mul3A_327 = arith.constant 10 : i32
        %mul3A_328 = arith.muli %scan3A_54, %mul3A_327 : i32
        %add3A_329 = arith.constant 9 : i32
        %add3A_330 = arith.addi %mul3A_328, %add3A_329 : i32
        %get3A_331 = arith.index_cast %add3A_330 : i32 to index
        %get3A_332 = arith.constant 32 : index
        %get3A_333 = tpu.vector_load %arg4[%get3A_331, %get3A_332] {strides = array<i32>} : memref<200x128xf32, #tpu.memory_space<vmem>>, vector<1x16xf32>,
        %get3A_334 = vector.shape_cast %get3A_333 : vector<1x16xf32> to vector<16xf32>
        %add3A_335 = arith.addf %add3A_326, %get3A_334 : vector<16xf32>
        %mul3A_336 = arith.constant 1.000000e-01 : f32
        %mul3A_337 = vector.broadcast %mul3A_336 : f32 to vector<16xf32>
        %mul3A_338 = arith.mulf %add3A_335, %mul3A_337 : vector<16xf32>
        %mul3A_339 = arith.constant 20 : i32
        %mul3A_340 = arith.muli %mul3A_31, %mul3A_339 : i32
        %add3A_341 = arith.addi %mul3A_340, %scan3A_54 : i32
        %swap3A_342 = arith.index_cast %add3A_341 : i32 to index
        %swap3A_343 = arith.constant 32 : index
        %swap3A_344 = tpu.vector_load %arg6[%swap3A_342, %swap3A_343] {strides = array<i32>} : memref<320x128xf32, #tpu.memory_space<vmem>>, vector<1x16xf32>,
        %swap3A_345 = vector.shape_cast %swap3A_344 : vector<1x16xf32> to vector<16xf32>
        %swap3A_346 = vector.shape_cast %mul3A_338 : vector<16xf32> to vector<1x16xf32>
        tpu.vector_store %arg6[%swap3A_342, %swap3A_343], %swap3A_346 {strides = array<i32>} : memref<320x128xf32, #tpu.memory_space<vmem>>, vector<1x16xf32>,
        %mul3A_347 = arith.constant 10 : i32
        %mul3A_348 = arith.muli %scan3A_54, %mul3A_347 : i32
        %get3A_349 = arith.index_cast %mul3A_348 : i32 to index
        %get3A_350 = arith.constant 48 : index
        %get3A_351 = tpu.vector_load %arg4[%get3A_349, %get3A_350] {strides = array<i32>} : memref<200x128xf32, #tpu.memory_space<vmem>>, vector<1x16xf32>,
        %get3A_352 = vector.shape_cast %get3A_351 : vector<1x16xf32> to vector<16xf32>
        %mul3A_353 = arith.constant 10 : i32
        %mul3A_354 = arith.muli %scan3A_54, %mul3A_353 : i32
        %add3A_355 = arith.constant 1 : i32
        %add3A_356 = arith.addi %mul3A_354, %add3A_355 : i32
        %get3A_357 = arith.index_cast %add3A_356 : i32 to index
        %get3A_358 = arith.constant 48 : index
        %get3A_359 = tpu.vector_load %arg4[%get3A_357, %get3A_358] {strides = array<i32>} : memref<200x128xf32, #tpu.memory_space<vmem>>, vector<1x16xf32>,
        %get3A_360 = vector.shape_cast %get3A_359 : vector<1x16xf32> to vector<16xf32>
        %add3A_361 = arith.addf %get3A_352, %get3A_360 : vector<16xf32>
        %mul3A_362 = arith.constant 10 : i32
        %mul3A_363 = arith.muli %scan3A_54, %mul3A_362 : i32
        %add3A_364 = arith.constant 2 : i32
        %add3A_365 = arith.addi %mul3A_363, %add3A_364 : i32
        %get3A_366 = arith.index_cast %add3A_365 : i32 to index
        %get3A_367 = arith.constant 48 : index
        %get3A_368 = tpu.vector_load %arg4[%get3A_366, %get3A_367] {strides = array<i32>} : memref<200x128xf32, #tpu.memory_space<vmem>>, vector<1x16xf32>,
        %get3A_369 = vector.shape_cast %get3A_368 : vector<1x16xf32> to vector<16xf32>
        %add3A_370 = arith.addf %add3A_361, %get3A_369 : vector<16xf32>
        %mul3A_371 = arith.constant 10 : i32
        %mul3A_372 = arith.muli %scan3A_54, %mul3A_371 : i32
        %add3A_373 = arith.constant 3 : i32
        %add3A_374 = arith.addi %mul3A_372, %add3A_373 : i32
        %get3A_375 = arith.index_cast %add3A_374 : i32 to index
        %get3A_376 = arith.constant 48 : index
        %get3A_377 = tpu.vector_load %arg4[%get3A_375, %get3A_376] {strides = array<i32>} : memref<200x128xf32, #tpu.memory_space<vmem>>, vector<1x16xf32>,
        %get3A_378 = vector.shape_cast %get3A_377 : vector<1x16xf32> to vector<16xf32>
        %add3A_379 = arith.addf %add3A_370, %get3A_378 : vector<16xf32>
        %mul3A_380 = arith.constant 10 : i32
        %mul3A_381 = arith.muli %scan3A_54, %mul3A_380 : i32
        %add3A_382 = arith.constant 4 : i32
        %add3A_383 = arith.addi %mul3A_381, %add3A_382 : i32
        %get3A_384 = arith.index_cast %add3A_383 : i32 to index
        %get3A_385 = arith.constant 48 : index
        %get3A_386 = tpu.vector_load %arg4[%get3A_384, %get3A_385] {strides = array<i32>} : memref<200x128xf32, #tpu.memory_space<vmem>>, vector<1x16xf32>,
        %get3A_387 = vector.shape_cast %get3A_386 : vector<1x16xf32> to vector<16xf32>
        %add3A_388 = arith.addf %add3A_379, %get3A_387 : vector<16xf32>
        %mul3A_389 = arith.constant 10 : i32
        %mul3A_390 = arith.muli %scan3A_54, %mul3A_389 : i32
        %add3A_391 = arith.constant 5 : i32
        %add3A_392 = arith.addi %mul3A_390, %add3A_391 : i32
        %get3A_393 = arith.index_cast %add3A_392 : i32 to index
        %get3A_394 = arith.constant 48 : index
        %get3A_395 = tpu.vector_load %arg4[%get3A_393, %get3A_394] {strides = array<i32>} : memref<200x128xf32, #tpu.memory_space<vmem>>, vector<1x16xf32>,
        %get3A_396 = vector.shape_cast %get3A_395 : vector<1x16xf32> to vector<16xf32>
        %add3A_397 = arith.addf %add3A_388, %get3A_396 : vector<16xf32>
        %mul3A_398 = arith.constant 10 : i32
        %mul3A_399 = arith.muli %scan3A_54, %mul3A_398 : i32
        %add3A_400 = arith.constant 6 : i32
        %add3A_401 = arith.addi %mul3A_399, %add3A_400 : i32
        %get3A_402 = arith.index_cast %add3A_401 : i32 to index
        %get3A_403 = arith.constant 48 : index
        %get3A_404 = tpu.vector_load %arg4[%get3A_402, %get3A_403] {strides = array<i32>} : memref<200x128xf32, #tpu.memory_space<vmem>>, vector<1x16xf32>,
        %get3A_405 = vector.shape_cast %get3A_404 : vector<1x16xf32> to vector<16xf32>
        %add3A_406 = arith.addf %add3A_397, %get3A_405 : vector<16xf32>
        %mul3A_407 = arith.constant 10 : i32
        %mul3A_408 = arith.muli %scan3A_54, %mul3A_407 : i32
        %add3A_409 = arith.constant 7 : i32
        %add3A_410 = arith.addi %mul3A_408, %add3A_409 : i32
        %get3A_411 = arith.index_cast %add3A_410 : i32 to index
        %get3A_412 = arith.constant 48 : index
        %get3A_413 = tpu.vector_load %arg4[%get3A_411, %get3A_412] {strides = array<i32>} : memref<200x128xf32, #tpu.memory_space<vmem>>, vector<1x16xf32>,
        %get3A_414 = vector.shape_cast %get3A_413 : vector<1x16xf32> to vector<16xf32>
        %add3A_415 = arith.addf %add3A_406, %get3A_414 : vector<16xf32>
        %mul3A_416 = arith.constant 10 : i32
        %mul3A_417 = arith.muli %scan3A_54, %mul3A_416 : i32
        %add3A_418 = arith.constant 8 : i32
        %add3A_419 = arith.addi %mul3A_417, %add3A_418 : i32
        %get3A_420 = arith.index_cast %add3A_419 : i32 to index
        %get3A_421 = arith.constant 48 : index
        %get3A_422 = tpu.vector_load %arg4[%get3A_420, %get3A_421] {strides = array<i32>} : memref<200x128xf32, #tpu.memory_space<vmem>>, vector<1x16xf32>,
        %get3A_423 = vector.shape_cast %get3A_422 : vector<1x16xf32> to vector<16xf32>
        %add3A_424 = arith.addf %add3A_415, %get3A_423 : vector<16xf32>
        %mul3A_425 = arith.constant 10 : i32
        %mul3A_426 = arith.muli %scan3A_54, %mul3A_425 : i32
        %add3A_427 = arith.constant 9 : i32
        %add3A_428 = arith.addi %mul3A_426, %add3A_427 : i32
        %get3A_429 = arith.index_cast %add3A_428 : i32 to index
        %get3A_430 = arith.constant 48 : index
        %get3A_431 = tpu.vector_load %arg4[%get3A_429, %get3A_430] {strides = array<i32>} : memref<200x128xf32, #tpu.memory_space<vmem>>, vector<1x16xf32>,
        %get3A_432 = vector.shape_cast %get3A_431 : vector<1x16xf32> to vector<16xf32>
        %add3A_433 = arith.addf %add3A_424, %get3A_432 : vector<16xf32>
        %mul3A_434 = arith.constant 1.000000e-01 : f32
        %mul3A_435 = vector.broadcast %mul3A_434 : f32 to vector<16xf32>
        %mul3A_436 = arith.mulf %add3A_433, %mul3A_435 : vector<16xf32>
        %mul3A_437 = arith.constant 20 : i32
        %mul3A_438 = arith.muli %mul3A_31, %mul3A_437 : i32
        %add3A_439 = arith.addi %mul3A_438, %scan3A_54 : i32
        %swap3A_440 = arith.index_cast %add3A_439 : i32 to index
        %swap3A_441 = arith.constant 48 : index
        %swap3A_442 = tpu.vector_load %arg6[%swap3A_440, %swap3A_441] {strides = array<i32>} : memref<320x128xf32, #tpu.memory_space<vmem>>, vector<1x16xf32>,
        %swap3A_443 = vector.shape_cast %swap3A_442 : vector<1x16xf32> to vector<16xf32>
        %swap3A_444 = vector.shape_cast %mul3A_436 : vector<16xf32> to vector<1x16xf32>
        tpu.vector_store %arg6[%swap3A_440, %swap3A_441], %swap3A_444 {strides = array<i32>} : memref<320x128xf32, #tpu.memory_space<vmem>>, vector<1x16xf32>,
        %mul3A_445 = arith.constant 10 : i32
        %mul3A_446 = arith.muli %scan3A_54, %mul3A_445 : i32
        %get3A_447 = arith.index_cast %mul3A_446 : i32 to index
        %get3A_448 = arith.constant 64 : index
        %get3A_449 = tpu.vector_load %arg4[%get3A_447, %get3A_448] {strides = array<i32>} : memref<200x128xf32, #tpu.memory_space<vmem>>, vector<1x16xf32>,
        %get3A_450 = vector.shape_cast %get3A_449 : vector<1x16xf32> to vector<16xf32>
        %mul3A_451 = arith.constant 10 : i32
        %mul3A_452 = arith.muli %scan3A_54, %mul3A_451 : i32
        %add3A_453 = arith.constant 1 : i32
        %add3A_454 = arith.addi %mul3A_452, %add3A_453 : i32
        %get3A_455 = arith.index_cast %add3A_454 : i32 to index
        %get3A_456 = arith.constant 64 : index
        %get3A_457 = tpu.vector_load %arg4[%get3A_455, %get3A_456] {strides = array<i32>} : memref<200x128xf32, #tpu.memory_space<vmem>>, vector<1x16xf32>,
        %get3A_458 = vector.shape_cast %get3A_457 : vector<1x16xf32> to vector<16xf32>
        %add3A_459 = arith.addf %get3A_450, %get3A_458 : vector<16xf32>
        %mul3A_460 = arith.constant 10 : i32
        %mul3A_461 = arith.muli %scan3A_54, %mul3A_460 : i32
        %add3A_462 = arith.constant 2 : i32
        %add3A_463 = arith.addi %mul3A_461, %add3A_462 : i32
        %get3A_464 = arith.index_cast %add3A_463 : i32 to index
        %get3A_465 = arith.constant 64 : index
        %get3A_466 = tpu.vector_load %arg4[%get3A_464, %get3A_465] {strides = array<i32>} : memref<200x128xf32, #tpu.memory_space<vmem>>, vector<1x16xf32>,
        %get3A_467 = vector.shape_cast %get3A_466 : vector<1x16xf32> to vector<16xf32>
        %add3A_468 = arith.addf %add3A_459, %get3A_467 : vector<16xf32>
        %mul3A_469 = arith.constant 10 : i32
        %mul3A_470 = arith.muli %scan3A_54, %mul3A_469 : i32
        %add3A_471 = arith.constant 3 : i32
        %add3A_472 = arith.addi %mul3A_470, %add3A_471 : i32
        %get3A_473 = arith.index_cast %add3A_472 : i32 to index
        %get3A_474 = arith.constant 64 : index
        %get3A_475 = tpu.vector_load %arg4[%get3A_473, %get3A_474] {strides = array<i32>} : memref<200x128xf32, #tpu.memory_space<vmem>>, vector<1x16xf32>,
        %get3A_476 = vector.shape_cast %get3A_475 : vector<1x16xf32> to vector<16xf32>
        %add3A_477 = arith.addf %add3A_468, %get3A_476 : vector<16xf32>
        %mul3A_478 = arith.constant 10 : i32
        %mul3A_479 = arith.muli %scan3A_54, %mul3A_478 : i32
        %add3A_480 = arith.constant 4 : i32
        %add3A_481 = arith.addi %mul3A_479, %add3A_480 : i32
        %get3A_482 = arith.index_cast %add3A_481 : i32 to index
        %get3A_483 = arith.constant 64 : index
        %get3A_484 = tpu.vector_load %arg4[%get3A_482, %get3A_483] {strides = array<i32>} : memref<200x128xf32, #tpu.memory_space<vmem>>, vector<1x16xf32>,
        %get3A_485 = vector.shape_cast %get3A_484 : vector<1x16xf32> to vector<16xf32>
        %add3A_486 = arith.addf %add3A_477, %get3A_485 : vector<16xf32>
        %mul3A_487 = arith.constant 10 : i32
        %mul3A_488 = arith.muli %scan3A_54, %mul3A_487 : i32
        %add3A_489 = arith.constant 5 : i32
        %add3A_490 = arith.addi %mul3A_488, %add3A_489 : i32
        %get3A_491 = arith.index_cast %add3A_490 : i32 to index
        %get3A_492 = arith.constant 64 : index
        %get3A_493 = tpu.vector_load %arg4[%get3A_491, %get3A_492] {strides = array<i32>} : memref<200x128xf32, #tpu.memory_space<vmem>>, vector<1x16xf32>,
        %get3A_494 = vector.shape_cast %get3A_493 : vector<1x16xf32> to vector<16xf32>
        %add3A_495 = arith.addf %add3A_486, %get3A_494 : vector<16xf32>
        %mul3A_496 = arith.constant 10 : i32
        %mul3A_497 = arith.muli %scan3A_54, %mul3A_496 : i32
        %add3A_498 = arith.constant 6 : i32
        %add3A_499 = arith.addi %mul3A_497, %add3A_498 : i32
        %get3A_500 = arith.index_cast %add3A_499 : i32 to index
        %get3A_501 = arith.constant 64 : index
        %get3A_502 = tpu.vector_load %arg4[%get3A_500, %get3A_501] {strides = array<i32>} : memref<200x128xf32, #tpu.memory_space<vmem>>, vector<1x16xf32>,
        %get3A_503 = vector.shape_cast %get3A_502 : vector<1x16xf32> to vector<16xf32>
        %add3A_504 = arith.addf %add3A_495, %get3A_503 : vector<16xf32>
        %mul3A_505 = arith.constant 10 : i32
        %mul3A_506 = arith.muli %scan3A_54, %mul3A_505 : i32
        %add3A_507 = arith.constant 7 : i32
        %add3A_508 = arith.addi %mul3A_506, %add3A_507 : i32
        %get3A_509 = arith.index_cast %add3A_508 : i32 to index
        %get3A_510 = arith.constant 64 : index
        %get3A_511 = tpu.vector_load %arg4[%get3A_509, %get3A_510] {strides = array<i32>} : memref<200x128xf32, #tpu.memory_space<vmem>>, vector<1x16xf32>,
        %get3A_512 = vector.shape_cast %get3A_511 : vector<1x16xf32> to vector<16xf32>
        %add3A_513 = arith.addf %add3A_504, %get3A_512 : vector<16xf32>
        %mul3A_514 = arith.constant 10 : i32
        %mul3A_515 = arith.muli %scan3A_54, %mul3A_514 : i32
        %add3A_516 = arith.constant 8 : i32
        %add3A_517 = arith.addi %mul3A_515, %add3A_516 : i32
        %get3A_518 = arith.index_cast %add3A_517 : i32 to index
        %get3A_519 = arith.constant 64 : index
        %get3A_520 = tpu.vector_load %arg4[%get3A_518, %get3A_519] {strides = array<i32>} : memref<200x128xf32, #tpu.memory_space<vmem>>, vector<1x16xf32>,
        %get3A_521 = vector.shape_cast %get3A_520 : vector<1x16xf32> to vector<16xf32>
        %add3A_522 = arith.addf %add3A_513, %get3A_521 : vector<16xf32>
        %mul3A_523 = arith.constant 10 : i32
        %mul3A_524 = arith.muli %scan3A_54, %mul3A_523 : i32
        %add3A_525 = arith.constant 9 : i32
        %add3A_526 = arith.addi %mul3A_524, %add3A_525 : i32
        %get3A_527 = arith.index_cast %add3A_526 : i32 to index
        %get3A_528 = arith.constant 64 : index
        %get3A_529 = tpu.vector_load %arg4[%get3A_527, %get3A_528] {strides = array<i32>} : memref<200x128xf32, #tpu.memory_space<vmem>>, vector<1x16xf32>,
        %get3A_530 = vector.shape_cast %get3A_529 : vector<1x16xf32> to vector<16xf32>
        %add3A_531 = arith.addf %add3A_522, %get3A_530 : vector<16xf32>
        %mul3A_532 = arith.constant 1.000000e-01 : f32
        %mul3A_533 = vector.broadcast %mul3A_532 : f32 to vector<16xf32>
        %mul3A_534 = arith.mulf %add3A_531, %mul3A_533 : vector<16xf32>
        %mul3A_535 = arith.constant 20 : i32
        %mul3A_536 = arith.muli %mul3A_31, %mul3A_535 : i32
        %add3A_537 = arith.addi %mul3A_536, %scan3A_54 : i32
        %swap3A_538 = arith.index_cast %add3A_537 : i32 to index
        %swap3A_539 = arith.constant 64 : index
        %swap3A_540 = tpu.vector_load %arg6[%swap3A_538, %swap3A_539] {strides = array<i32>} : memref<320x128xf32, #tpu.memory_space<vmem>>, vector<1x16xf32>,
        %swap3A_541 = vector.shape_cast %swap3A_540 : vector<1x16xf32> to vector<16xf32>
        %swap3A_542 = vector.shape_cast %mul3A_534 : vector<16xf32> to vector<1x16xf32>
        tpu.vector_store %arg6[%swap3A_538, %swap3A_539], %swap3A_542 {strides = array<i32>} : memref<320x128xf32, #tpu.memory_space<vmem>>, vector<1x16xf32>,
        %mul3A_543 = arith.constant 10 : i32
        %mul3A_544 = arith.muli %scan3A_54, %mul3A_543 : i32
        %get3A_545 = arith.index_cast %mul3A_544 : i32 to index
        %get3A_546 = arith.constant 80 : index
        %get3A_547 = tpu.vector_load %arg4[%get3A_545, %get3A_546] {strides = array<i32>} : memref<200x128xf32, #tpu.memory_space<vmem>>, vector<1x16xf32>,
        %get3A_548 = vector.shape_cast %get3A_547 : vector<1x16xf32> to vector<16xf32>
        %mul3A_549 = arith.constant 10 : i32
        %mul3A_550 = arith.muli %scan3A_54, %mul3A_549 : i32
        %add3A_551 = arith.constant 1 : i32
        %add3A_552 = arith.addi %mul3A_550, %add3A_551 : i32
        %get3A_553 = arith.index_cast %add3A_552 : i32 to index
        %get3A_554 = arith.constant 80 : index
        %get3A_555 = tpu.vector_load %arg4[%get3A_553, %get3A_554] {strides = array<i32>} : memref<200x128xf32, #tpu.memory_space<vmem>>, vector<1x16xf32>,
        %get3A_556 = vector.shape_cast %get3A_555 : vector<1x16xf32> to vector<16xf32>
        %add3A_557 = arith.addf %get3A_548, %get3A_556 : vector<16xf32>
        %mul3A_558 = arith.constant 10 : i32
        %mul3A_559 = arith.muli %scan3A_54, %mul3A_558 : i32
        %add3A_560 = arith.constant 2 : i32
        %add3A_561 = arith.addi %mul3A_559, %add3A_560 : i32
        %get3A_562 = arith.index_cast %add3A_561 : i32 to index
        %get3A_563 = arith.constant 80 : index
        %get3A_564 = tpu.vector_load %arg4[%get3A_562, %get3A_563] {strides = array<i32>} : memref<200x128xf32, #tpu.memory_space<vmem>>, vector<1x16xf32>,
        %get3A_565 = vector.shape_cast %get3A_564 : vector<1x16xf32> to vector<16xf32>
        %add3A_566 = arith.addf %add3A_557, %get3A_565 : vector<16xf32>
        %mul3A_567 = arith.constant 10 : i32
        %mul3A_568 = arith.muli %scan3A_54, %mul3A_567 : i32
        %add3A_569 = arith.constant 3 : i32
        %add3A_570 = arith.addi %mul3A_568, %add3A_569 : i32
        %get3A_571 = arith.index_cast %add3A_570 : i32 to index
        %get3A_572 = arith.constant 80 : index
        %get3A_573 = tpu.vector_load %arg4[%get3A_571, %get3A_572] {strides = array<i32>} : memref<200x128xf32, #tpu.memory_space<vmem>>, vector<1x16xf32>,
        %get3A_574 = vector.shape_cast %get3A_573 : vector<1x16xf32> to vector<16xf32>
        %add3A_575 = arith.addf %add3A_566, %get3A_574 : vector<16xf32>
        %mul3A_576 = arith.constant 10 : i32
        %mul3A_577 = arith.muli %scan3A_54, %mul3A_576 : i32
        %add3A_578 = arith.constant 4 : i32
        %add3A_579 = arith.addi %mul3A_577, %add3A_578 : i32
        %get3A_580 = arith.index_cast %add3A_579 : i32 to index
        %get3A_581 = arith.constant 80 : index
        %get3A_582 = tpu.vector_load %arg4[%get3A_580, %get3A_581] {strides = array<i32>} : memref<200x128xf32, #tpu.memory_space<vmem>>, vector<1x16xf32>,
        %get3A_583 = vector.shape_cast %get3A_582 : vector<1x16xf32> to vector<16xf32>
        %add3A_584 = arith.addf %add3A_575, %get3A_583 : vector<16xf32>
        %mul3A_585 = arith.constant 10 : i32
        %mul3A_586 = arith.muli %scan3A_54, %mul3A_585 : i32
        %add3A_587 = arith.constant 5 : i32
        %add3A_588 = arith.addi %mul3A_586, %add3A_587 : i32
        %get3A_589 = arith.index_cast %add3A_588 : i32 to index
        %get3A_590 = arith.constant 80 : index
        %get3A_591 = tpu.vector_load %arg4[%get3A_589, %get3A_590] {strides = array<i32>} : memref<200x128xf32, #tpu.memory_space<vmem>>, vector<1x16xf32>,
        %get3A_592 = vector.shape_cast %get3A_591 : vector<1x16xf32> to vector<16xf32>
        %add3A_593 = arith.addf %add3A_584, %get3A_592 : vector<16xf32>
        %mul3A_594 = arith.constant 10 : i32
        %mul3A_595 = arith.muli %scan3A_54, %mul3A_594 : i32
        %add3A_596 = arith.constant 6 : i32
        %add3A_597 = arith.addi %mul3A_595, %add3A_596 : i32
        %get3A_598 = arith.index_cast %add3A_597 : i32 to index
        %get3A_599 = arith.constant 80 : index
        %get3A_600 = tpu.vector_load %arg4[%get3A_598, %get3A_599] {strides = array<i32>} : memref<200x128xf32, #tpu.memory_space<vmem>>, vector<1x16xf32>,
        %get3A_601 = vector.shape_cast %get3A_600 : vector<1x16xf32> to vector<16xf32>
        %add3A_602 = arith.addf %add3A_593, %get3A_601 : vector<16xf32>
        %mul3A_603 = arith.constant 10 : i32
        %mul3A_604 = arith.muli %scan3A_54, %mul3A_603 : i32
        %add3A_605 = arith.constant 7 : i32
        %add3A_606 = arith.addi %mul3A_604, %add3A_605 : i32
        %get3A_607 = arith.index_cast %add3A_606 : i32 to index
        %get3A_608 = arith.constant 80 : index
        %get3A_609 = tpu.vector_load %arg4[%get3A_607, %get3A_608] {strides = array<i32>} : memref<200x128xf32, #tpu.memory_space<vmem>>, vector<1x16xf32>,
        %get3A_610 = vector.shape_cast %get3A_609 : vector<1x16xf32> to vector<16xf32>
        %add3A_611 = arith.addf %add3A_602, %get3A_610 : vector<16xf32>
        %mul3A_612 = arith.constant 10 : i32
        %mul3A_613 = arith.muli %scan3A_54, %mul3A_612 : i32
        %add3A_614 = arith.constant 8 : i32
        %add3A_615 = arith.addi %mul3A_613, %add3A_614 : i32
        %get3A_616 = arith.index_cast %add3A_615 : i32 to index
        %get3A_617 = arith.constant 80 : index
        %get3A_618 = tpu.vector_load %arg4[%get3A_616, %get3A_617] {strides = array<i32>} : memref<200x128xf32, #tpu.memory_space<vmem>>, vector<1x16xf32>,
        %get3A_619 = vector.shape_cast %get3A_618 : vector<1x16xf32> to vector<16xf32>
        %add3A_620 = arith.addf %add3A_611, %get3A_619 : vector<16xf32>
        %mul3A_621 = arith.constant 10 : i32
        %mul3A_622 = arith.muli %scan3A_54, %mul3A_621 : i32
        %add3A_623 = arith.constant 9 : i32
        %add3A_624 = arith.addi %mul3A_622, %add3A_623 : i32
        %get3A_625 = arith.index_cast %add3A_624 : i32 to index
        %get3A_626 = arith.constant 80 : index
        %get3A_627 = tpu.vector_load %arg4[%get3A_625, %get3A_626] {strides = array<i32>} : memref<200x128xf32, #tpu.memory_space<vmem>>, vector<1x16xf32>,
        %get3A_628 = vector.shape_cast %get3A_627 : vector<1x16xf32> to vector<16xf32>
        %add3A_629 = arith.addf %add3A_620, %get3A_628 : vector<16xf32>
        %mul3A_630 = arith.constant 1.000000e-01 : f32
        %mul3A_631 = vector.broadcast %mul3A_630 : f32 to vector<16xf32>
        %mul3A_632 = arith.mulf %add3A_629, %mul3A_631 : vector<16xf32>
        %mul3A_633 = arith.constant 20 : i32
        %mul3A_634 = arith.muli %mul3A_31, %mul3A_633 : i32
        %add3A_635 = arith.addi %mul3A_634, %scan3A_54 : i32
        %swap3A_636 = arith.index_cast %add3A_635 : i32 to index
        %swap3A_637 = arith.constant 80 : index
        %swap3A_638 = tpu.vector_load %arg6[%swap3A_636, %swap3A_637] {strides = array<i32>} : memref<320x128xf32, #tpu.memory_space<vmem>>, vector<1x16xf32>,
        %swap3A_639 = vector.shape_cast %swap3A_638 : vector<1x16xf32> to vector<16xf32>
        %swap3A_640 = vector.shape_cast %mul3A_632 : vector<16xf32> to vector<1x16xf32>
        tpu.vector_store %arg6[%swap3A_636, %swap3A_637], %swap3A_640 {strides = array<i32>} : memref<320x128xf32, #tpu.memory_space<vmem>>, vector<1x16xf32>,
        %mul3A_641 = arith.constant 10 : i32
        %mul3A_642 = arith.muli %scan3A_54, %mul3A_641 : i32
        %get3A_643 = arith.index_cast %mul3A_642 : i32 to index
        %get3A_644 = arith.constant 96 : index
        %get3A_645 = tpu.vector_load %arg4[%get3A_643, %get3A_644] {strides = array<i32>} : memref<200x128xf32, #tpu.memory_space<vmem>>, vector<1x16xf32>,
        %get3A_646 = vector.shape_cast %get3A_645 : vector<1x16xf32> to vector<16xf32>
        %mul3A_647 = arith.constant 10 : i32
        %mul3A_648 = arith.muli %scan3A_54, %mul3A_647 : i32
        %add3A_649 = arith.constant 1 : i32
        %add3A_650 = arith.addi %mul3A_648, %add3A_649 : i32
        %get3A_651 = arith.index_cast %add3A_650 : i32 to index
        %get3A_652 = arith.constant 96 : index
        %get3A_653 = tpu.vector_load %arg4[%get3A_651, %get3A_652] {strides = array<i32>} : memref<200x128xf32, #tpu.memory_space<vmem>>, vector<1x16xf32>,
        %get3A_654 = vector.shape_cast %get3A_653 : vector<1x16xf32> to vector<16xf32>
        %add3A_655 = arith.addf %get3A_646, %get3A_654 : vector<16xf32>
        %mul3A_656 = arith.constant 10 : i32
        %mul3A_657 = arith.muli %scan3A_54, %mul3A_656 : i32
        %add3A_658 = arith.constant 2 : i32
        %add3A_659 = arith.addi %mul3A_657, %add3A_658 : i32
        %get3A_660 = arith.index_cast %add3A_659 : i32 to index
        %get3A_661 = arith.constant 96 : index
        %get3A_662 = tpu.vector_load %arg4[%get3A_660, %get3A_661] {strides = array<i32>} : memref<200x128xf32, #tpu.memory_space<vmem>>, vector<1x16xf32>,
        %get3A_663 = vector.shape_cast %get3A_662 : vector<1x16xf32> to vector<16xf32>
        %add3A_664 = arith.addf %add3A_655, %get3A_663 : vector<16xf32>
        %mul3A_665 = arith.constant 10 : i32
        %mul3A_666 = arith.muli %scan3A_54, %mul3A_665 : i32
        %add3A_667 = arith.constant 3 : i32
        %add3A_668 = arith.addi %mul3A_666, %add3A_667 : i32
        %get3A_669 = arith.index_cast %add3A_668 : i32 to index
        %get3A_670 = arith.constant 96 : index
        %get3A_671 = tpu.vector_load %arg4[%get3A_669, %get3A_670] {strides = array<i32>} : memref<200x128xf32, #tpu.memory_space<vmem>>, vector<1x16xf32>,
        %get3A_672 = vector.shape_cast %get3A_671 : vector<1x16xf32> to vector<16xf32>
        %add3A_673 = arith.addf %add3A_664, %get3A_672 : vector<16xf32>
        %mul3A_674 = arith.constant 10 : i32
        %mul3A_675 = arith.muli %scan3A_54, %mul3A_674 : i32
        %add3A_676 = arith.constant 4 : i32
        %add3A_677 = arith.addi %mul3A_675, %add3A_676 : i32
        %get3A_678 = arith.index_cast %add3A_677 : i32 to index
        %get3A_679 = arith.constant 96 : index
        %get3A_680 = tpu.vector_load %arg4[%get3A_678, %get3A_679] {strides = array<i32>} : memref<200x128xf32, #tpu.memory_space<vmem>>, vector<1x16xf32>,
        %get3A_681 = vector.shape_cast %get3A_680 : vector<1x16xf32> to vector<16xf32>
        %add3A_682 = arith.addf %add3A_673, %get3A_681 : vector<16xf32>
        %mul3A_683 = arith.constant 10 : i32
        %mul3A_684 = arith.muli %scan3A_54, %mul3A_683 : i32
        %add3A_685 = arith.constant 5 : i32
        %add3A_686 = arith.addi %mul3A_684, %add3A_685 : i32
        %get3A_687 = arith.index_cast %add3A_686 : i32 to index
        %get3A_688 = arith.constant 96 : index
        %get3A_689 = tpu.vector_load %arg4[%get3A_687, %get3A_688] {strides = array<i32>} : memref<200x128xf32, #tpu.memory_space<vmem>>, vector<1x16xf32>,
        %get3A_690 = vector.shape_cast %get3A_689 : vector<1x16xf32> to vector<16xf32>
        %add3A_691 = arith.addf %add3A_682, %get3A_690 : vector<16xf32>
        %mul3A_692 = arith.constant 10 : i32
        %mul3A_693 = arith.muli %scan3A_54, %mul3A_692 : i32
        %add3A_694 = arith.constant 6 : i32
        %add3A_695 = arith.addi %mul3A_693, %add3A_694 : i32
        %get3A_696 = arith.index_cast %add3A_695 : i32 to index
        %get3A_697 = arith.constant 96 : index
        %get3A_698 = tpu.vector_load %arg4[%get3A_696, %get3A_697] {strides = array<i32>} : memref<200x128xf32, #tpu.memory_space<vmem>>, vector<1x16xf32>,
        %get3A_699 = vector.shape_cast %get3A_698 : vector<1x16xf32> to vector<16xf32>
        %add3A_700 = arith.addf %add3A_691, %get3A_699 : vector<16xf32>
        %mul3A_701 = arith.constant 10 : i32
        %mul3A_702 = arith.muli %scan3A_54, %mul3A_701 : i32
        %add3A_703 = arith.constant 7 : i32
        %add3A_704 = arith.addi %mul3A_702, %add3A_703 : i32
        %get3A_705 = arith.index_cast %add3A_704 : i32 to index
        %get3A_706 = arith.constant 96 : index
        %get3A_707 = tpu.vector_load %arg4[%get3A_705, %get3A_706] {strides = array<i32>} : memref<200x128xf32, #tpu.memory_space<vmem>>, vector<1x16xf32>,
        %get3A_708 = vector.shape_cast %get3A_707 : vector<1x16xf32> to vector<16xf32>
        %add3A_709 = arith.addf %add3A_700, %get3A_708 : vector<16xf32>
        %mul3A_710 = arith.constant 10 : i32
        %mul3A_711 = arith.muli %scan3A_54, %mul3A_710 : i32
        %add3A_712 = arith.constant 8 : i32
        %add3A_713 = arith.addi %mul3A_711, %add3A_712 : i32
        %get3A_714 = arith.index_cast %add3A_713 : i32 to index
        %get3A_715 = arith.constant 96 : index
        %get3A_716 = tpu.vector_load %arg4[%get3A_714, %get3A_715] {strides = array<i32>} : memref<200x128xf32, #tpu.memory_space<vmem>>, vector<1x16xf32>,
        %get3A_717 = vector.shape_cast %get3A_716 : vector<1x16xf32> to vector<16xf32>
        %add3A_718 = arith.addf %add3A_709, %get3A_717 : vector<16xf32>
        %mul3A_719 = arith.constant 10 : i32
        %mul3A_720 = arith.muli %scan3A_54, %mul3A_719 : i32
        %add3A_721 = arith.constant 9 : i32
        %add3A_722 = arith.addi %mul3A_720, %add3A_721 : i32
        %get3A_723 = arith.index_cast %add3A_722 : i32 to index
        %get3A_724 = arith.constant 96 : index
        %get3A_725 = tpu.vector_load %arg4[%get3A_723, %get3A_724] {strides = array<i32>} : memref<200x128xf32, #tpu.memory_space<vmem>>, vector<1x16xf32>,
        %get3A_726 = vector.shape_cast %get3A_725 : vector<1x16xf32> to vector<16xf32>
        %add3A_727 = arith.addf %add3A_718, %get3A_726 : vector<16xf32>
        %mul3A_728 = arith.constant 1.000000e-01 : f32
        %mul3A_729 = vector.broadcast %mul3A_728 : f32 to vector<16xf32>
        %mul3A_730 = arith.mulf %add3A_727, %mul3A_729 : vector<16xf32>
        %mul3A_731 = arith.constant 20 : i32
        %mul3A_732 = arith.muli %mul3A_31, %mul3A_731 : i32
        %add3A_733 = arith.addi %mul3A_732, %scan3A_54 : i32
        %swap3A_734 = arith.index_cast %add3A_733 : i32 to index
        %swap3A_735 = arith.constant 96 : index
        %swap3A_736 = tpu.vector_load %arg6[%swap3A_734, %swap3A_735] {strides = array<i32>} : memref<320x128xf32, #tpu.memory_space<vmem>>, vector<1x16xf32>,
        %swap3A_737 = vector.shape_cast %swap3A_736 : vector<1x16xf32> to vector<16xf32>
        %swap3A_738 = vector.shape_cast %mul3A_730 : vector<16xf32> to vector<1x16xf32>
        tpu.vector_store %arg6[%swap3A_734, %swap3A_735], %swap3A_738 {strides = array<i32>} : memref<320x128xf32, #tpu.memory_space<vmem>>, vector<1x16xf32>,
        %mul3A_739 = arith.constant 10 : i32
        %mul3A_740 = arith.muli %scan3A_54, %mul3A_739 : i32
        %get3A_741 = arith.index_cast %mul3A_740 : i32 to index
        %get3A_742 = arith.constant 112 : index
        %get3A_743 = tpu.vector_load %arg4[%get3A_741, %get3A_742] {strides = array<i32>} : memref<200x128xf32, #tpu.memory_space<vmem>>, vector<1x16xf32>,
        %get3A_744 = vector.shape_cast %get3A_743 : vector<1x16xf32> to vector<16xf32>
        %mul3A_745 = arith.constant 10 : i32
        %mul3A_746 = arith.muli %scan3A_54, %mul3A_745 : i32
        %add3A_747 = arith.constant 1 : i32
        %add3A_748 = arith.addi %mul3A_746, %add3A_747 : i32
        %get3A_749 = arith.index_cast %add3A_748 : i32 to index
        %get3A_750 = arith.constant 112 : index
        %get3A_751 = tpu.vector_load %arg4[%get3A_749, %get3A_750] {strides = array<i32>} : memref<200x128xf32, #tpu.memory_space<vmem>>, vector<1x16xf32>,
        %get3A_752 = vector.shape_cast %get3A_751 : vector<1x16xf32> to vector<16xf32>
        %add3A_753 = arith.addf %get3A_744, %get3A_752 : vector<16xf32>
        %mul3A_754 = arith.constant 10 : i32
        %mul3A_755 = arith.muli %scan3A_54, %mul3A_754 : i32
        %add3A_756 = arith.constant 2 : i32
        %add3A_757 = arith.addi %mul3A_755, %add3A_756 : i32
        %get3A_758 = arith.index_cast %add3A_757 : i32 to index
        %get3A_759 = arith.constant 112 : index
        %get3A_760 = tpu.vector_load %arg4[%get3A_758, %get3A_759] {strides = array<i32>} : memref<200x128xf32, #tpu.memory_space<vmem>>, vector<1x16xf32>,
        %get3A_761 = vector.shape_cast %get3A_760 : vector<1x16xf32> to vector<16xf32>
        %add3A_762 = arith.addf %add3A_753, %get3A_761 : vector<16xf32>
        %mul3A_763 = arith.constant 10 : i32
        %mul3A_764 = arith.muli %scan3A_54, %mul3A_763 : i32
        %add3A_765 = arith.constant 3 : i32
        %add3A_766 = arith.addi %mul3A_764, %add3A_765 : i32
        %get3A_767 = arith.index_cast %add3A_766 : i32 to index
        %get3A_768 = arith.constant 112 : index
        %get3A_769 = tpu.vector_load %arg4[%get3A_767, %get3A_768] {strides = array<i32>} : memref<200x128xf32, #tpu.memory_space<vmem>>, vector<1x16xf32>,
        %get3A_770 = vector.shape_cast %get3A_769 : vector<1x16xf32> to vector<16xf32>
        %add3A_771 = arith.addf %add3A_762, %get3A_770 : vector<16xf32>
        %mul3A_772 = arith.constant 10 : i32
        %mul3A_773 = arith.muli %scan3A_54, %mul3A_772 : i32
        %add3A_774 = arith.constant 4 : i32
        %add3A_775 = arith.addi %mul3A_773, %add3A_774 : i32
        %get3A_776 = arith.index_cast %add3A_775 : i32 to index
        %get3A_777 = arith.constant 112 : index
        %get3A_778 = tpu.vector_load %arg4[%get3A_776, %get3A_777] {strides = array<i32>} : memref<200x128xf32, #tpu.memory_space<vmem>>, vector<1x16xf32>,
        %get3A_779 = vector.shape_cast %get3A_778 : vector<1x16xf32> to vector<16xf32>
        %add3A_780 = arith.addf %add3A_771, %get3A_779 : vector<16xf32>
        %mul3A_781 = arith.constant 10 : i32
        %mul3A_782 = arith.muli %scan3A_54, %mul3A_781 : i32
        %add3A_783 = arith.constant 5 : i32
        %add3A_784 = arith.addi %mul3A_782, %add3A_783 : i32
        %get3A_785 = arith.index_cast %add3A_784 : i32 to index
        %get3A_786 = arith.constant 112 : index
        %get3A_787 = tpu.vector_load %arg4[%get3A_785, %get3A_786] {strides = array<i32>} : memref<200x128xf32, #tpu.memory_space<vmem>>, vector<1x16xf32>,
        %get3A_788 = vector.shape_cast %get3A_787 : vector<1x16xf32> to vector<16xf32>
        %add3A_789 = arith.addf %add3A_780, %get3A_788 : vector<16xf32>
        %mul3A_790 = arith.constant 10 : i32
        %mul3A_791 = arith.muli %scan3A_54, %mul3A_790 : i32
        %add3A_792 = arith.constant 6 : i32
        %add3A_793 = arith.addi %mul3A_791, %add3A_792 : i32
        %get3A_794 = arith.index_cast %add3A_793 : i32 to index
        %get3A_795 = arith.constant 112 : index
        %get3A_796 = tpu.vector_load %arg4[%get3A_794, %get3A_795] {strides = array<i32>} : memref<200x128xf32, #tpu.memory_space<vmem>>, vector<1x16xf32>,
        %get3A_797 = vector.shape_cast %get3A_796 : vector<1x16xf32> to vector<16xf32>
        %add3A_798 = arith.addf %add3A_789, %get3A_797 : vector<16xf32>
        %mul3A_799 = arith.constant 10 : i32
        %mul3A_800 = arith.muli %scan3A_54, %mul3A_799 : i32
        %add3A_801 = arith.constant 7 : i32
        %add3A_802 = arith.addi %mul3A_800, %add3A_801 : i32
        %get3A_803 = arith.index_cast %add3A_802 : i32 to index
        %get3A_804 = arith.constant 112 : index
        %get3A_805 = tpu.vector_load %arg4[%get3A_803, %get3A_804] {strides = array<i32>} : memref<200x128xf32, #tpu.memory_space<vmem>>, vector<1x16xf32>,
        %get3A_806 = vector.shape_cast %get3A_805 : vector<1x16xf32> to vector<16xf32>
        %add3A_807 = arith.addf %add3A_798, %get3A_806 : vector<16xf32>
        %mul3A_808 = arith.constant 10 : i32
        %mul3A_809 = arith.muli %scan3A_54, %mul3A_808 : i32
        %add3A_810 = arith.constant 8 : i32
        %add3A_811 = arith.addi %mul3A_809, %add3A_810 : i32
        %get3A_812 = arith.index_cast %add3A_811 : i32 to index
        %get3A_813 = arith.constant 112 : index
        %get3A_814 = tpu.vector_load %arg4[%get3A_812, %get3A_813] {strides = array<i32>} : memref<200x128xf32, #tpu.memory_space<vmem>>, vector<1x16xf32>,
        %get3A_815 = vector.shape_cast %get3A_814 : vector<1x16xf32> to vector<16xf32>
        %add3A_816 = arith.addf %add3A_807, %get3A_815 : vector<16xf32>
        %mul3A_817 = arith.constant 10 : i32
        %mul3A_818 = arith.muli %scan3A_54, %mul3A_817 : i32
        %add3A_819 = arith.constant 9 : i32
        %add3A_820 = arith.addi %mul3A_818, %add3A_819 : i32
        %get3A_821 = arith.index_cast %add3A_820 : i32 to index
        %get3A_822 = arith.constant 112 : index
        %get3A_823 = tpu.vector_load %arg4[%get3A_821, %get3A_822] {strides = array<i32>} : memref<200x128xf32, #tpu.memory_space<vmem>>, vector<1x16xf32>,
        %get3A_824 = vector.shape_cast %get3A_823 : vector<1x16xf32> to vector<16xf32>
        %add3A_825 = arith.addf %add3A_816, %get3A_824 : vector<16xf32>
        %mul3A_826 = arith.constant 1.000000e-01 : f32
        %mul3A_827 = vector.broadcast %mul3A_826 : f32 to vector<16xf32>
        %mul3A_828 = arith.mulf %add3A_825, %mul3A_827 : vector<16xf32>
        %mul3A_829 = arith.constant 20 : i32
        %mul3A_830 = arith.muli %mul3A_31, %mul3A_829 : i32
        %add3A_831 = arith.addi %mul3A_830, %scan3A_54 : i32
        %swap3A_832 = arith.index_cast %add3A_831 : i32 to index
        %swap3A_833 = arith.constant 112 : index
        %swap3A_834 = tpu.vector_load %arg6[%swap3A_832, %swap3A_833] {strides = array<i32>} : memref<320x128xf32, #tpu.memory_space<vmem>>, vector<1x16xf32>,
        %swap3A_835 = vector.shape_cast %swap3A_834 : vector<1x16xf32> to vector<16xf32>
        %swap3A_836 = vector.shape_cast %mul3A_828 : vector<16xf32> to vector<1x16xf32>
        tpu.vector_store %arg6[%swap3A_832, %swap3A_833], %swap3A_836 {strides = array<i32>} : memref<320x128xf32, #tpu.memory_space<vmem>>, vector<1x16xf32>,
      }
      %scan3A_37 = arith.constant 20 : i32
      %lt3A = arith.constant 7 : i32
      %lt3A_38 = arith.cmpi slt, %scan3A_15, %lt3A : i32
      %convert_element_type3A = arith.extui %lt3A_38 : i1 to i32
      %cond3A = arith.constant 0 : i32
      %cond3A_39 = arith.cmpi ne, %convert_element_type3A, %cond3A : i32
      scf.if %cond3A_39 {
        %mul3A_54 = arith.constant 2 : i32
        %mul3A_55 = arith.muli %mul3A_54, %scan3A_15 : i32
        %add3A_56 = arith.constant 2 : i32
        %add3A_57 = arith.addi %mul3A_55, %add3A_56 : i32
        %mul3A_58 = arith.constant 200 : i32
        %mul3A_59 = arith.muli %add3A_57, %mul3A_58 : i32
        %add3A_60 = arith.addi %mul3A_2, %mul3A_59 : i32
        %dma_start3A_61 = arith.constant 0 : i32
        %dma_start3A_62 = tpu.memref_slice %arg2[%add3A_60, %dma_start3A_61] : memref<102400x128xf32, #tpu.memory_space<hbm>> -> memref<200x128xf32, #tpu.memory_space<hbm>>
        %dma_start3A_63 = arith.constant 0 : i32
        %dma_start3A_64 = tpu.memref_slice %arg2[%add3A_60, %dma_start3A_63] : memref<102400x128xf32, #tpu.memory_space<hbm>> -> memref<200x128xf32, #tpu.memory_space<hbm>>
        tpu.enqueue_dma source(%dma_start3A_64 : memref<200x128xf32, #tpu.memory_space<hbm>>) target(%arg4 : memref<200x128xf32, #tpu.memory_space<vmem>>) target_semaphore(%arg7 : memref<!tpu.dma_semaphore, #tpu.memory_space<semaphore_mem>>)
      } else {
      }
      %dma_wait3A_40 = arith.constant 0 : i32
      %dma_wait3A_41 = tpu.memref_slice %arg2[%mul3A_2, %dma_wait3A_40] : memref<102400x128xf32, #tpu.memory_space<hbm>> -> memref<200x128xf32, #tpu.memory_space<hbm>>
      %dma_wait3A_42 = arith.constant 0 : i32
      %dma_wait3A_43 = tpu.memref_slice %arg2[%mul3A_2, %dma_wait3A_42] : memref<102400x128xf32, #tpu.memory_space<hbm>> -> memref<200x128xf32, #tpu.memory_space<hbm>>
      tpu.wait_dma2 semaphore(%arg8 : memref<!tpu.dma_semaphore, #tpu.memory_space<semaphore_mem>>) src(%dma_wait3A_43 : memref<200x128xf32, #tpu.memory_space<hbm>>) dst(%arg5 : memref<200x128xf32, #tpu.memory_space<vmem>>)
      %mul3A_44 = arith.constant 2 : i32
      %mul3A_45 = arith.muli %mul3A_44, %scan3A_15 : i32
      %add3A_46 = arith.constant 1 : i32
      %add3A_47 = arith.addi %mul3A_45, %add3A_46 : i32
      %scan3A_48 = arith.constant 0 : i32
      %scan3A_49 = arith.constant 0 : i32
      %scan3A_50 = arith.constant 20 : i32
      %scan3A_51 = arith.addi %scan3A_49, %scan3A_50 : i32
      %scan3A_52 = arith.constant 1 : i32
      scf.for %scan3A_54 = %scan3A_49 to %scan3A_51 step %scan3A_52  : i32 {
        %mul3A_55 = arith.constant 10 : i32
        %mul3A_56 = arith.muli %scan3A_54, %mul3A_55 : i32
        %get3A = arith.index_cast %mul3A_56 : i32 to index
        %get3A_57 = arith.constant 0 : index
        %get3A_58 = tpu.vector_load %arg5[%get3A, %get3A_57] {strides = array<i32>} : memref<200x128xf32, #tpu.memory_space<vmem>>, vector<1x16xf32>,
        %get3A_59 = vector.shape_cast %get3A_58 : vector<1x16xf32> to vector<16xf32>
        %mul3A_60 = arith.constant 10 : i32
        %mul3A_61 = arith.muli %scan3A_54, %mul3A_60 : i32
        %add3A_62 = arith.constant 1 : i32
        %add3A_63 = arith.addi %mul3A_61, %add3A_62 : i32
        %get3A_64 = arith.index_cast %add3A_63 : i32 to index
        %get3A_65 = arith.constant 0 : index
        %get3A_66 = tpu.vector_load %arg5[%get3A_64, %get3A_65] {strides = array<i32>} : memref<200x128xf32, #tpu.memory_space<vmem>>, vector<1x16xf32>,
        %get3A_67 = vector.shape_cast %get3A_66 : vector<1x16xf32> to vector<16xf32>
        %add3A_68 = arith.addf %get3A_59, %get3A_67 : vector<16xf32>
        %mul3A_69 = arith.constant 10 : i32
        %mul3A_70 = arith.muli %scan3A_54, %mul3A_69 : i32
        %add3A_71 = arith.constant 2 : i32
        %add3A_72 = arith.addi %mul3A_70, %add3A_71 : i32
        %get3A_73 = arith.index_cast %add3A_72 : i32 to index
        %get3A_74 = arith.constant 0 : index
        %get3A_75 = tpu.vector_load %arg5[%get3A_73, %get3A_74] {strides = array<i32>} : memref<200x128xf32, #tpu.memory_space<vmem>>, vector<1x16xf32>,
        %get3A_76 = vector.shape_cast %get3A_75 : vector<1x16xf32> to vector<16xf32>
        %add3A_77 = arith.addf %add3A_68, %get3A_76 : vector<16xf32>
        %mul3A_78 = arith.constant 10 : i32
        %mul3A_79 = arith.muli %scan3A_54, %mul3A_78 : i32
        %add3A_80 = arith.constant 3 : i32
        %add3A_81 = arith.addi %mul3A_79, %add3A_80 : i32
        %get3A_82 = arith.index_cast %add3A_81 : i32 to index
        %get3A_83 = arith.constant 0 : index
        %get3A_84 = tpu.vector_load %arg5[%get3A_82, %get3A_83] {strides = array<i32>} : memref<200x128xf32, #tpu.memory_space<vmem>>, vector<1x16xf32>,
        %get3A_85 = vector.shape_cast %get3A_84 : vector<1x16xf32> to vector<16xf32>
        %add3A_86 = arith.addf %add3A_77, %get3A_85 : vector<16xf32>
        %mul3A_87 = arith.constant 10 : i32
        %mul3A_88 = arith.muli %scan3A_54, %mul3A_87 : i32
        %add3A_89 = arith.constant 4 : i32
        %add3A_90 = arith.addi %mul3A_88, %add3A_89 : i32
        %get3A_91 = arith.index_cast %add3A_90 : i32 to index
        %get3A_92 = arith.constant 0 : index
        %get3A_93 = tpu.vector_load %arg5[%get3A_91, %get3A_92] {strides = array<i32>} : memref<200x128xf32, #tpu.memory_space<vmem>>, vector<1x16xf32>,
        %get3A_94 = vector.shape_cast %get3A_93 : vector<1x16xf32> to vector<16xf32>
        %add3A_95 = arith.addf %add3A_86, %get3A_94 : vector<16xf32>
        %mul3A_96 = arith.constant 10 : i32
        %mul3A_97 = arith.muli %scan3A_54, %mul3A_96 : i32
        %add3A_98 = arith.constant 5 : i32
        %add3A_99 = arith.addi %mul3A_97, %add3A_98 : i32
        %get3A_100 = arith.index_cast %add3A_99 : i32 to index
        %get3A_101 = arith.constant 0 : index
        %get3A_102 = tpu.vector_load %arg5[%get3A_100, %get3A_101] {strides = array<i32>} : memref<200x128xf32, #tpu.memory_space<vmem>>, vector<1x16xf32>,
        %get3A_103 = vector.shape_cast %get3A_102 : vector<1x16xf32> to vector<16xf32>
        %add3A_104 = arith.addf %add3A_95, %get3A_103 : vector<16xf32>
        %mul3A_105 = arith.constant 10 : i32
        %mul3A_106 = arith.muli %scan3A_54, %mul3A_105 : i32
        %add3A_107 = arith.constant 6 : i32
        %add3A_108 = arith.addi %mul3A_106, %add3A_107 : i32
        %get3A_109 = arith.index_cast %add3A_108 : i32 to index
        %get3A_110 = arith.constant 0 : index
        %get3A_111 = tpu.vector_load %arg5[%get3A_109, %get3A_110] {strides = array<i32>} : memref<200x128xf32, #tpu.memory_space<vmem>>, vector<1x16xf32>,
        %get3A_112 = vector.shape_cast %get3A_111 : vector<1x16xf32> to vector<16xf32>
        %add3A_113 = arith.addf %add3A_104, %get3A_112 : vector<16xf32>
        %mul3A_114 = arith.constant 10 : i32
        %mul3A_115 = arith.muli %scan3A_54, %mul3A_114 : i32
        %add3A_116 = arith.constant 7 : i32
        %add3A_117 = arith.addi %mul3A_115, %add3A_116 : i32
        %get3A_118 = arith.index_cast %add3A_117 : i32 to index
        %get3A_119 = arith.constant 0 : index
        %get3A_120 = tpu.vector_load %arg5[%get3A_118, %get3A_119] {strides = array<i32>} : memref<200x128xf32, #tpu.memory_space<vmem>>, vector<1x16xf32>,
        %get3A_121 = vector.shape_cast %get3A_120 : vector<1x16xf32> to vector<16xf32>
        %add3A_122 = arith.addf %add3A_113, %get3A_121 : vector<16xf32>
        %mul3A_123 = arith.constant 10 : i32
        %mul3A_124 = arith.muli %scan3A_54, %mul3A_123 : i32
        %add3A_125 = arith.constant 8 : i32
        %add3A_126 = arith.addi %mul3A_124, %add3A_125 : i32
        %get3A_127 = arith.index_cast %add3A_126 : i32 to index
        %get3A_128 = arith.constant 0 : index
        %get3A_129 = tpu.vector_load %arg5[%get3A_127, %get3A_128] {strides = array<i32>} : memref<200x128xf32, #tpu.memory_space<vmem>>, vector<1x16xf32>,
        %get3A_130 = vector.shape_cast %get3A_129 : vector<1x16xf32> to vector<16xf32>
        %add3A_131 = arith.addf %add3A_122, %get3A_130 : vector<16xf32>
        %mul3A_132 = arith.constant 10 : i32
        %mul3A_133 = arith.muli %scan3A_54, %mul3A_132 : i32
        %add3A_134 = arith.constant 9 : i32
        %add3A_135 = arith.addi %mul3A_133, %add3A_134 : i32
        %get3A_136 = arith.index_cast %add3A_135 : i32 to index
        %get3A_137 = arith.constant 0 : index
        %get3A_138 = tpu.vector_load %arg5[%get3A_136, %get3A_137] {strides = array<i32>} : memref<200x128xf32, #tpu.memory_space<vmem>>, vector<1x16xf32>,
        %get3A_139 = vector.shape_cast %get3A_138 : vector<1x16xf32> to vector<16xf32>
        %add3A_140 = arith.addf %add3A_131, %get3A_139 : vector<16xf32>
        %mul3A_141 = arith.constant 1.000000e-01 : f32
        %mul3A_142 = vector.broadcast %mul3A_141 : f32 to vector<16xf32>
        %mul3A_143 = arith.mulf %add3A_140, %mul3A_142 : vector<16xf32>
        %mul3A_144 = arith.constant 20 : i32
        %mul3A_145 = arith.muli %add3A_47, %mul3A_144 : i32
        %add3A_146 = arith.addi %mul3A_145, %scan3A_54 : i32
        %swap3A = arith.index_cast %add3A_146 : i32 to index
        %swap3A_147 = arith.constant 0 : index
        %swap3A_148 = tpu.vector_load %arg6[%swap3A, %swap3A_147] {strides = array<i32>} : memref<320x128xf32, #tpu.memory_space<vmem>>, vector<1x16xf32>,
        %swap3A_149 = vector.shape_cast %swap3A_148 : vector<1x16xf32> to vector<16xf32>
        %swap3A_150 = vector.shape_cast %mul3A_143 : vector<16xf32> to vector<1x16xf32>
        tpu.vector_store %arg6[%swap3A, %swap3A_147], %swap3A_150 {strides = array<i32>} : memref<320x128xf32, #tpu.memory_space<vmem>>, vector<1x16xf32>,
        %mul3A_151 = arith.constant 10 : i32
        %mul3A_152 = arith.muli %scan3A_54, %mul3A_151 : i32
        %get3A_153 = arith.index_cast %mul3A_152 : i32 to index
        %get3A_154 = arith.constant 16 : index
        %get3A_155 = tpu.vector_load %arg5[%get3A_153, %get3A_154] {strides = array<i32>} : memref<200x128xf32, #tpu.memory_space<vmem>>, vector<1x16xf32>,
        %get3A_156 = vector.shape_cast %get3A_155 : vector<1x16xf32> to vector<16xf32>
        %mul3A_157 = arith.constant 10 : i32
        %mul3A_158 = arith.muli %scan3A_54, %mul3A_157 : i32
        %add3A_159 = arith.constant 1 : i32
        %add3A_160 = arith.addi %mul3A_158, %add3A_159 : i32
        %get3A_161 = arith.index_cast %add3A_160 : i32 to index
        %get3A_162 = arith.constant 16 : index
        %get3A_163 = tpu.vector_load %arg5[%get3A_161, %get3A_162] {strides = array<i32>} : memref<200x128xf32, #tpu.memory_space<vmem>>, vector<1x16xf32>,
        %get3A_164 = vector.shape_cast %get3A_163 : vector<1x16xf32> to vector<16xf32>
        %add3A_165 = arith.addf %get3A_156, %get3A_164 : vector<16xf32>
        %mul3A_166 = arith.constant 10 : i32
        %mul3A_167 = arith.muli %scan3A_54, %mul3A_166 : i32
        %add3A_168 = arith.constant 2 : i32
        %add3A_169 = arith.addi %mul3A_167, %add3A_168 : i32
        %get3A_170 = arith.index_cast %add3A_169 : i32 to index
        %get3A_171 = arith.constant 16 : index
        %get3A_172 = tpu.vector_load %arg5[%get3A_170, %get3A_171] {strides = array<i32>} : memref<200x128xf32, #tpu.memory_space<vmem>>, vector<1x16xf32>,
        %get3A_173 = vector.shape_cast %get3A_172 : vector<1x16xf32> to vector<16xf32>
        %add3A_174 = arith.addf %add3A_165, %get3A_173 : vector<16xf32>
        %mul3A_175 = arith.constant 10 : i32
        %mul3A_176 = arith.muli %scan3A_54, %mul3A_175 : i32
        %add3A_177 = arith.constant 3 : i32
        %add3A_178 = arith.addi %mul3A_176, %add3A_177 : i32
        %get3A_179 = arith.index_cast %add3A_178 : i32 to index
        %get3A_180 = arith.constant 16 : index
        %get3A_181 = tpu.vector_load %arg5[%get3A_179, %get3A_180] {strides = array<i32>} : memref<200x128xf32, #tpu.memory_space<vmem>>, vector<1x16xf32>,
        %get3A_182 = vector.shape_cast %get3A_181 : vector<1x16xf32> to vector<16xf32>
        %add3A_183 = arith.addf %add3A_174, %get3A_182 : vector<16xf32>
        %mul3A_184 = arith.constant 10 : i32
        %mul3A_185 = arith.muli %scan3A_54, %mul3A_184 : i32
        %add3A_186 = arith.constant 4 : i32
        %add3A_187 = arith.addi %mul3A_185, %add3A_186 : i32
        %get3A_188 = arith.index_cast %add3A_187 : i32 to index
        %get3A_189 = arith.constant 16 : index
        %get3A_190 = tpu.vector_load %arg5[%get3A_188, %get3A_189] {strides = array<i32>} : memref<200x128xf32, #tpu.memory_space<vmem>>, vector<1x16xf32>,
        %get3A_191 = vector.shape_cast %get3A_190 : vector<1x16xf32> to vector<16xf32>
        %add3A_192 = arith.addf %add3A_183, %get3A_191 : vector<16xf32>
        %mul3A_193 = arith.constant 10 : i32
        %mul3A_194 = arith.muli %scan3A_54, %mul3A_193 : i32
        %add3A_195 = arith.constant 5 : i32
        %add3A_196 = arith.addi %mul3A_194, %add3A_195 : i32
        %get3A_197 = arith.index_cast %add3A_196 : i32 to index
        %get3A_198 = arith.constant 16 : index
        %get3A_199 = tpu.vector_load %arg5[%get3A_197, %get3A_198] {strides = array<i32>} : memref<200x128xf32, #tpu.memory_space<vmem>>, vector<1x16xf32>,
        %get3A_200 = vector.shape_cast %get3A_199 : vector<1x16xf32> to vector<16xf32>
        %add3A_201 = arith.addf %add3A_192, %get3A_200 : vector<16xf32>
        %mul3A_202 = arith.constant 10 : i32
        %mul3A_203 = arith.muli %scan3A_54, %mul3A_202 : i32
        %add3A_204 = arith.constant 6 : i32
        %add3A_205 = arith.addi %mul3A_203, %add3A_204 : i32
        %get3A_206 = arith.index_cast %add3A_205 : i32 to index
        %get3A_207 = arith.constant 16 : index
        %get3A_208 = tpu.vector_load %arg5[%get3A_206, %get3A_207] {strides = array<i32>} : memref<200x128xf32, #tpu.memory_space<vmem>>, vector<1x16xf32>,
        %get3A_209 = vector.shape_cast %get3A_208 : vector<1x16xf32> to vector<16xf32>
        %add3A_210 = arith.addf %add3A_201, %get3A_209 : vector<16xf32>
        %mul3A_211 = arith.constant 10 : i32
        %mul3A_212 = arith.muli %scan3A_54, %mul3A_211 : i32
        %add3A_213 = arith.constant 7 : i32
        %add3A_214 = arith.addi %mul3A_212, %add3A_213 : i32
        %get3A_215 = arith.index_cast %add3A_214 : i32 to index
        %get3A_216 = arith.constant 16 : index
        %get3A_217 = tpu.vector_load %arg5[%get3A_215, %get3A_216] {strides = array<i32>} : memref<200x128xf32, #tpu.memory_space<vmem>>, vector<1x16xf32>,
        %get3A_218 = vector.shape_cast %get3A_217 : vector<1x16xf32> to vector<16xf32>
        %add3A_219 = arith.addf %add3A_210, %get3A_218 : vector<16xf32>
        %mul3A_220 = arith.constant 10 : i32
        %mul3A_221 = arith.muli %scan3A_54, %mul3A_220 : i32
        %add3A_222 = arith.constant 8 : i32
        %add3A_223 = arith.addi %mul3A_221, %add3A_222 : i32
        %get3A_224 = arith.index_cast %add3A_223 : i32 to index
        %get3A_225 = arith.constant 16 : index
        %get3A_226 = tpu.vector_load %arg5[%get3A_224, %get3A_225] {strides = array<i32>} : memref<200x128xf32, #tpu.memory_space<vmem>>, vector<1x16xf32>,
        %get3A_227 = vector.shape_cast %get3A_226 : vector<1x16xf32> to vector<16xf32>
        %add3A_228 = arith.addf %add3A_219, %get3A_227 : vector<16xf32>
        %mul3A_229 = arith.constant 10 : i32
        %mul3A_230 = arith.muli %scan3A_54, %mul3A_229 : i32
        %add3A_231 = arith.constant 9 : i32
        %add3A_232 = arith.addi %mul3A_230, %add3A_231 : i32
        %get3A_233 = arith.index_cast %add3A_232 : i32 to index
        %get3A_234 = arith.constant 16 : index
        %get3A_235 = tpu.vector_load %arg5[%get3A_233, %get3A_234] {strides = array<i32>} : memref<200x128xf32, #tpu.memory_space<vmem>>, vector<1x16xf32>,
        %get3A_236 = vector.shape_cast %get3A_235 : vector<1x16xf32> to vector<16xf32>
        %add3A_237 = arith.addf %add3A_228, %get3A_236 : vector<16xf32>
        %mul3A_238 = arith.constant 1.000000e-01 : f32
        %mul3A_239 = vector.broadcast %mul3A_238 : f32 to vector<16xf32>
        %mul3A_240 = arith.mulf %add3A_237, %mul3A_239 : vector<16xf32>
        %mul3A_241 = arith.constant 20 : i32
        %mul3A_242 = arith.muli %add3A_47, %mul3A_241 : i32
        %add3A_243 = arith.addi %mul3A_242, %scan3A_54 : i32
        %swap3A_244 = arith.index_cast %add3A_243 : i32 to index
        %swap3A_245 = arith.constant 16 : index
        %swap3A_246 = tpu.vector_load %arg6[%swap3A_244, %swap3A_245] {strides = array<i32>} : memref<320x128xf32, #tpu.memory_space<vmem>>, vector<1x16xf32>,
        %swap3A_247 = vector.shape_cast %swap3A_246 : vector<1x16xf32> to vector<16xf32>
        %swap3A_248 = vector.shape_cast %mul3A_240 : vector<16xf32> to vector<1x16xf32>
        tpu.vector_store %arg6[%swap3A_244, %swap3A_245], %swap3A_248 {strides = array<i32>} : memref<320x128xf32, #tpu.memory_space<vmem>>, vector<1x16xf32>,
        %mul3A_249 = arith.constant 10 : i32
        %mul3A_250 = arith.muli %scan3A_54, %mul3A_249 : i32
        %get3A_251 = arith.index_cast %mul3A_250 : i32 to index
        %get3A_252 = arith.constant 32 : index
        %get3A_253 = tpu.vector_load %arg5[%get3A_251, %get3A_252] {strides = array<i32>} : memref<200x128xf32, #tpu.memory_space<vmem>>, vector<1x16xf32>,
        %get3A_254 = vector.shape_cast %get3A_253 : vector<1x16xf32> to vector<16xf32>
        %mul3A_255 = arith.constant 10 : i32
        %mul3A_256 = arith.muli %scan3A_54, %mul3A_255 : i32
        %add3A_257 = arith.constant 1 : i32
        %add3A_258 = arith.addi %mul3A_256, %add3A_257 : i32
        %get3A_259 = arith.index_cast %add3A_258 : i32 to index
        %get3A_260 = arith.constant 32 : index
        %get3A_261 = tpu.vector_load %arg5[%get3A_259, %get3A_260] {strides = array<i32>} : memref<200x128xf32, #tpu.memory_space<vmem>>, vector<1x16xf32>,
        %get3A_262 = vector.shape_cast %get3A_261 : vector<1x16xf32> to vector<16xf32>
        %add3A_263 = arith.addf %get3A_254, %get3A_262 : vector<16xf32>
        %mul3A_264 = arith.constant 10 : i32
        %mul3A_265 = arith.muli %scan3A_54, %mul3A_264 : i32
        %add3A_266 = arith.constant 2 : i32
        %add3A_267 = arith.addi %mul3A_265, %add3A_266 : i32
        %get3A_268 = arith.index_cast %add3A_267 : i32 to index
        %get3A_269 = arith.constant 32 : index
        %get3A_270 = tpu.vector_load %arg5[%get3A_268, %get3A_269] {strides = array<i32>} : memref<200x128xf32, #tpu.memory_space<vmem>>, vector<1x16xf32>,
        %get3A_271 = vector.shape_cast %get3A_270 : vector<1x16xf32> to vector<16xf32>
        %add3A_272 = arith.addf %add3A_263, %get3A_271 : vector<16xf32>
        %mul3A_273 = arith.constant 10 : i32
        %mul3A_274 = arith.muli %scan3A_54, %mul3A_273 : i32
        %add3A_275 = arith.constant 3 : i32
        %add3A_276 = arith.addi %mul3A_274, %add3A_275 : i32
        %get3A_277 = arith.index_cast %add3A_276 : i32 to index
        %get3A_278 = arith.constant 32 : index
        %get3A_279 = tpu.vector_load %arg5[%get3A_277, %get3A_278] {strides = array<i32>} : memref<200x128xf32, #tpu.memory_space<vmem>>, vector<1x16xf32>,
        %get3A_280 = vector.shape_cast %get3A_279 : vector<1x16xf32> to vector<16xf32>
        %add3A_281 = arith.addf %add3A_272, %get3A_280 : vector<16xf32>
        %mul3A_282 = arith.constant 10 : i32
        %mul3A_283 = arith.muli %scan3A_54, %mul3A_282 : i32
        %add3A_284 = arith.constant 4 : i32
        %add3A_285 = arith.addi %mul3A_283, %add3A_284 : i32
        %get3A_286 = arith.index_cast %add3A_285 : i32 to index
        %get3A_287 = arith.constant 32 : index
        %get3A_288 = tpu.vector_load %arg5[%get3A_286, %get3A_287] {strides = array<i32>} : memref<200x128xf32, #tpu.memory_space<vmem>>, vector<1x16xf32>,
        %get3A_289 = vector.shape_cast %get3A_288 : vector<1x16xf32> to vector<16xf32>
        %add3A_290 = arith.addf %add3A_281, %get3A_289 : vector<16xf32>
        %mul3A_291 = arith.constant 10 : i32
        %mul3A_292 = arith.muli %scan3A_54, %mul3A_291 : i32
        %add3A_293 = arith.constant 5 : i32
        %add3A_294 = arith.addi %mul3A_292, %add3A_293 : i32
        %get3A_295 = arith.index_cast %add3A_294 : i32 to index
        %get3A_296 = arith.constant 32 : index
        %get3A_297 = tpu.vector_load %arg5[%get3A_295, %get3A_296] {strides = array<i32>} : memref<200x128xf32, #tpu.memory_space<vmem>>, vector<1x16xf32>,
        %get3A_298 = vector.shape_cast %get3A_297 : vector<1x16xf32> to vector<16xf32>
        %add3A_299 = arith.addf %add3A_290, %get3A_298 : vector<16xf32>
        %mul3A_300 = arith.constant 10 : i32
        %mul3A_301 = arith.muli %scan3A_54, %mul3A_300 : i32
        %add3A_302 = arith.constant 6 : i32
        %add3A_303 = arith.addi %mul3A_301, %add3A_302 : i32
        %get3A_304 = arith.index_cast %add3A_303 : i32 to index
        %get3A_305 = arith.constant 32 : index
        %get3A_306 = tpu.vector_load %arg5[%get3A_304, %get3A_305] {strides = array<i32>} : memref<200x128xf32, #tpu.memory_space<vmem>>, vector<1x16xf32>,
        %get3A_307 = vector.shape_cast %get3A_306 : vector<1x16xf32> to vector<16xf32>
        %add3A_308 = arith.addf %add3A_299, %get3A_307 : vector<16xf32>
        %mul3A_309 = arith.constant 10 : i32
        %mul3A_310 = arith.muli %scan3A_54, %mul3A_309 : i32
        %add3A_311 = arith.constant 7 : i32
        %add3A_312 = arith.addi %mul3A_310, %add3A_311 : i32
        %get3A_313 = arith.index_cast %add3A_312 : i32 to index
        %get3A_314 = arith.constant 32 : index
        %get3A_315 = tpu.vector_load %arg5[%get3A_313, %get3A_314] {strides = array<i32>} : memref<200x128xf32, #tpu.memory_space<vmem>>, vector<1x16xf32>,
        %get3A_316 = vector.shape_cast %get3A_315 : vector<1x16xf32> to vector<16xf32>
        %add3A_317 = arith.addf %add3A_308, %get3A_316 : vector<16xf32>
        %mul3A_318 = arith.constant 10 : i32
        %mul3A_319 = arith.muli %scan3A_54, %mul3A_318 : i32
        %add3A_320 = arith.constant 8 : i32
        %add3A_321 = arith.addi %mul3A_319, %add3A_320 : i32
        %get3A_322 = arith.index_cast %add3A_321 : i32 to index
        %get3A_323 = arith.constant 32 : index
        %get3A_324 = tpu.vector_load %arg5[%get3A_322, %get3A_323] {strides = array<i32>} : memref<200x128xf32, #tpu.memory_space<vmem>>, vector<1x16xf32>,
        %get3A_325 = vector.shape_cast %get3A_324 : vector<1x16xf32> to vector<16xf32>
        %add3A_326 = arith.addf %add3A_317, %get3A_325 : vector<16xf32>
        %mul3A_327 = arith.constant 10 : i32
        %mul3A_328 = arith.muli %scan3A_54, %mul3A_327 : i32
        %add3A_329 = arith.constant 9 : i32
        %add3A_330 = arith.addi %mul3A_328, %add3A_329 : i32
        %get3A_331 = arith.index_cast %add3A_330 : i32 to index
        %get3A_332 = arith.constant 32 : index
        %get3A_333 = tpu.vector_load %arg5[%get3A_331, %get3A_332] {strides = array<i32>} : memref<200x128xf32, #tpu.memory_space<vmem>>, vector<1x16xf32>,
        %get3A_334 = vector.shape_cast %get3A_333 : vector<1x16xf32> to vector<16xf32>
        %add3A_335 = arith.addf %add3A_326, %get3A_334 : vector<16xf32>
        %mul3A_336 = arith.constant 1.000000e-01 : f32
        %mul3A_337 = vector.broadcast %mul3A_336 : f32 to vector<16xf32>
        %mul3A_338 = arith.mulf %add3A_335, %mul3A_337 : vector<16xf32>
        %mul3A_339 = arith.constant 20 : i32
        %mul3A_340 = arith.muli %add3A_47, %mul3A_339 : i32
        %add3A_341 = arith.addi %mul3A_340, %scan3A_54 : i32
        %swap3A_342 = arith.index_cast %add3A_341 : i32 to index
        %swap3A_343 = arith.constant 32 : index
        %swap3A_344 = tpu.vector_load %arg6[%swap3A_342, %swap3A_343] {strides = array<i32>} : memref<320x128xf32, #tpu.memory_space<vmem>>, vector<1x16xf32>,
        %swap3A_345 = vector.shape_cast %swap3A_344 : vector<1x16xf32> to vector<16xf32>
        %swap3A_346 = vector.shape_cast %mul3A_338 : vector<16xf32> to vector<1x16xf32>
        tpu.vector_store %arg6[%swap3A_342, %swap3A_343], %swap3A_346 {strides = array<i32>} : memref<320x128xf32, #tpu.memory_space<vmem>>, vector<1x16xf32>,
        %mul3A_347 = arith.constant 10 : i32
        %mul3A_348 = arith.muli %scan3A_54, %mul3A_347 : i32
        %get3A_349 = arith.index_cast %mul3A_348 : i32 to index
        %get3A_350 = arith.constant 48 : index
        %get3A_351 = tpu.vector_load %arg5[%get3A_349, %get3A_350] {strides = array<i32>} : memref<200x128xf32, #tpu.memory_space<vmem>>, vector<1x16xf32>,
        %get3A_352 = vector.shape_cast %get3A_351 : vector<1x16xf32> to vector<16xf32>
        %mul3A_353 = arith.constant 10 : i32
        %mul3A_354 = arith.muli %scan3A_54, %mul3A_353 : i32
        %add3A_355 = arith.constant 1 : i32
        %add3A_356 = arith.addi %mul3A_354, %add3A_355 : i32
        %get3A_357 = arith.index_cast %add3A_356 : i32 to index
        %get3A_358 = arith.constant 48 : index
        %get3A_359 = tpu.vector_load %arg5[%get3A_357, %get3A_358] {strides = array<i32>} : memref<200x128xf32, #tpu.memory_space<vmem>>, vector<1x16xf32>,
        %get3A_360 = vector.shape_cast %get3A_359 : vector<1x16xf32> to vector<16xf32>
        %add3A_361 = arith.addf %get3A_352, %get3A_360 : vector<16xf32>
        %mul3A_362 = arith.constant 10 : i32
        %mul3A_363 = arith.muli %scan3A_54, %mul3A_362 : i32
        %add3A_364 = arith.constant 2 : i32
        %add3A_365 = arith.addi %mul3A_363, %add3A_364 : i32
        %get3A_366 = arith.index_cast %add3A_365 : i32 to index
        %get3A_367 = arith.constant 48 : index
        %get3A_368 = tpu.vector_load %arg5[%get3A_366, %get3A_367] {strides = array<i32>} : memref<200x128xf32, #tpu.memory_space<vmem>>, vector<1x16xf32>,
        %get3A_369 = vector.shape_cast %get3A_368 : vector<1x16xf32> to vector<16xf32>
        %add3A_370 = arith.addf %add3A_361, %get3A_369 : vector<16xf32>
        %mul3A_371 = arith.constant 10 : i32
        %mul3A_372 = arith.muli %scan3A_54, %mul3A_371 : i32
        %add3A_373 = arith.constant 3 : i32
        %add3A_374 = arith.addi %mul3A_372, %add3A_373 : i32
        %get3A_375 = arith.index_cast %add3A_374 : i32 to index
        %get3A_376 = arith.constant 48 : index
        %get3A_377 = tpu.vector_load %arg5[%get3A_375, %get3A_376] {strides = array<i32>} : memref<200x128xf32, #tpu.memory_space<vmem>>, vector<1x16xf32>,
        %get3A_378 = vector.shape_cast %get3A_377 : vector<1x16xf32> to vector<16xf32>
        %add3A_379 = arith.addf %add3A_370, %get3A_378 : vector<16xf32>
        %mul3A_380 = arith.constant 10 : i32
        %mul3A_381 = arith.muli %scan3A_54, %mul3A_380 : i32
        %add3A_382 = arith.constant 4 : i32
        %add3A_383 = arith.addi %mul3A_381, %add3A_382 : i32
        %get3A_384 = arith.index_cast %add3A_383 : i32 to index
        %get3A_385 = arith.constant 48 : index
        %get3A_386 = tpu.vector_load %arg5[%get3A_384, %get3A_385] {strides = array<i32>} : memref<200x128xf32, #tpu.memory_space<vmem>>, vector<1x16xf32>,
        %get3A_387 = vector.shape_cast %get3A_386 : vector<1x16xf32> to vector<16xf32>
        %add3A_388 = arith.addf %add3A_379, %get3A_387 : vector<16xf32>
        %mul3A_389 = arith.constant 10 : i32
        %mul3A_390 = arith.muli %scan3A_54, %mul3A_389 : i32
        %add3A_391 = arith.constant 5 : i32
        %add3A_392 = arith.addi %mul3A_390, %add3A_391 : i32
        %get3A_393 = arith.index_cast %add3A_392 : i32 to index
        %get3A_394 = arith.constant 48 : index
        %get3A_395 = tpu.vector_load %arg5[%get3A_393, %get3A_394] {strides = array<i32>} : memref<200x128xf32, #tpu.memory_space<vmem>>, vector<1x16xf32>,
        %get3A_396 = vector.shape_cast %get3A_395 : vector<1x16xf32> to vector<16xf32>
        %add3A_397 = arith.addf %add3A_388, %get3A_396 : vector<16xf32>
        %mul3A_398 = arith.constant 10 : i32
        %mul3A_399 = arith.muli %scan3A_54, %mul3A_398 : i32
        %add3A_400 = arith.constant 6 : i32
        %add3A_401 = arith.addi %mul3A_399, %add3A_400 : i32
        %get3A_402 = arith.index_cast %add3A_401 : i32 to index
        %get3A_403 = arith.constant 48 : index
        %get3A_404 = tpu.vector_load %arg5[%get3A_402, %get3A_403] {strides = array<i32>} : memref<200x128xf32, #tpu.memory_space<vmem>>, vector<1x16xf32>,
        %get3A_405 = vector.shape_cast %get3A_404 : vector<1x16xf32> to vector<16xf32>
        %add3A_406 = arith.addf %add3A_397, %get3A_405 : vector<16xf32>
        %mul3A_407 = arith.constant 10 : i32
        %mul3A_408 = arith.muli %scan3A_54, %mul3A_407 : i32
        %add3A_409 = arith.constant 7 : i32
        %add3A_410 = arith.addi %mul3A_408, %add3A_409 : i32
        %get3A_411 = arith.index_cast %add3A_410 : i32 to index
        %get3A_412 = arith.constant 48 : index
        %get3A_413 = tpu.vector_load %arg5[%get3A_411, %get3A_412] {strides = array<i32>} : memref<200x128xf32, #tpu.memory_space<vmem>>, vector<1x16xf32>,
        %get3A_414 = vector.shape_cast %get3A_413 : vector<1x16xf32> to vector<16xf32>
        %add3A_415 = arith.addf %add3A_406, %get3A_414 : vector<16xf32>
        %mul3A_416 = arith.constant 10 : i32
        %mul3A_417 = arith.muli %scan3A_54, %mul3A_416 : i32
        %add3A_418 = arith.constant 8 : i32
        %add3A_419 = arith.addi %mul3A_417, %add3A_418 : i32
        %get3A_420 = arith.index_cast %add3A_419 : i32 to index
        %get3A_421 = arith.constant 48 : index
        %get3A_422 = tpu.vector_load %arg5[%get3A_420, %get3A_421] {strides = array<i32>} : memref<200x128xf32, #tpu.memory_space<vmem>>, vector<1x16xf32>,
        %get3A_423 = vector.shape_cast %get3A_422 : vector<1x16xf32> to vector<16xf32>
        %add3A_424 = arith.addf %add3A_415, %get3A_423 : vector<16xf32>
        %mul3A_425 = arith.constant 10 : i32
        %mul3A_426 = arith.muli %scan3A_54, %mul3A_425 : i32
        %add3A_427 = arith.constant 9 : i32
        %add3A_428 = arith.addi %mul3A_426, %add3A_427 : i32
        %get3A_429 = arith.index_cast %add3A_428 : i32 to index
        %get3A_430 = arith.constant 48 : index
        %get3A_431 = tpu.vector_load %arg5[%get3A_429, %get3A_430] {strides = array<i32>} : memref<200x128xf32, #tpu.memory_space<vmem>>, vector<1x16xf32>,
        %get3A_432 = vector.shape_cast %get3A_431 : vector<1x16xf32> to vector<16xf32>
        %add3A_433 = arith.addf %add3A_424, %get3A_432 : vector<16xf32>
        %mul3A_434 = arith.constant 1.000000e-01 : f32
        %mul3A_435 = vector.broadcast %mul3A_434 : f32 to vector<16xf32>
        %mul3A_436 = arith.mulf %add3A_433, %mul3A_435 : vector<16xf32>
        %mul3A_437 = arith.constant 20 : i32
        %mul3A_438 = arith.muli %add3A_47, %mul3A_437 : i32
        %add3A_439 = arith.addi %mul3A_438, %scan3A_54 : i32
        %swap3A_440 = arith.index_cast %add3A_439 : i32 to index
        %swap3A_441 = arith.constant 48 : index
        %swap3A_442 = tpu.vector_load %arg6[%swap3A_440, %swap3A_441] {strides = array<i32>} : memref<320x128xf32, #tpu.memory_space<vmem>>, vector<1x16xf32>,
        %swap3A_443 = vector.shape_cast %swap3A_442 : vector<1x16xf32> to vector<16xf32>
        %swap3A_444 = vector.shape_cast %mul3A_436 : vector<16xf32> to vector<1x16xf32>
        tpu.vector_store %arg6[%swap3A_440, %swap3A_441], %swap3A_444 {strides = array<i32>} : memref<320x128xf32, #tpu.memory_space<vmem>>, vector<1x16xf32>,
        %mul3A_445 = arith.constant 10 : i32
        %mul3A_446 = arith.muli %scan3A_54, %mul3A_445 : i32
        %get3A_447 = arith.index_cast %mul3A_446 : i32 to index
        %get3A_448 = arith.constant 64 : index
        %get3A_449 = tpu.vector_load %arg5[%get3A_447, %get3A_448] {strides = array<i32>} : memref<200x128xf32, #tpu.memory_space<vmem>>, vector<1x16xf32>,
        %get3A_450 = vector.shape_cast %get3A_449 : vector<1x16xf32> to vector<16xf32>
        %mul3A_451 = arith.constant 10 : i32
        %mul3A_452 = arith.muli %scan3A_54, %mul3A_451 : i32
        %add3A_453 = arith.constant 1 : i32
        %add3A_454 = arith.addi %mul3A_452, %add3A_453 : i32
        %get3A_455 = arith.index_cast %add3A_454 : i32 to index
        %get3A_456 = arith.constant 64 : index
        %get3A_457 = tpu.vector_load %arg5[%get3A_455, %get3A_456] {strides = array<i32>} : memref<200x128xf32, #tpu.memory_space<vmem>>, vector<1x16xf32>,
        %get3A_458 = vector.shape_cast %get3A_457 : vector<1x16xf32> to vector<16xf32>
        %add3A_459 = arith.addf %get3A_450, %get3A_458 : vector<16xf32>
        %mul3A_460 = arith.constant 10 : i32
        %mul3A_461 = arith.muli %scan3A_54, %mul3A_460 : i32
        %add3A_462 = arith.constant 2 : i32
        %add3A_463 = arith.addi %mul3A_461, %add3A_462 : i32
        %get3A_464 = arith.index_cast %add3A_463 : i32 to index
        %get3A_465 = arith.constant 64 : index
        %get3A_466 = tpu.vector_load %arg5[%get3A_464, %get3A_465] {strides = array<i32>} : memref<200x128xf32, #tpu.memory_space<vmem>>, vector<1x16xf32>,
        %get3A_467 = vector.shape_cast %get3A_466 : vector<1x16xf32> to vector<16xf32>
        %add3A_468 = arith.addf %add3A_459, %get3A_467 : vector<16xf32>
        %mul3A_469 = arith.constant 10 : i32
        %mul3A_470 = arith.muli %scan3A_54, %mul3A_469 : i32
        %add3A_471 = arith.constant 3 : i32
        %add3A_472 = arith.addi %mul3A_470, %add3A_471 : i32
        %get3A_473 = arith.index_cast %add3A_472 : i32 to index
        %get3A_474 = arith.constant 64 : index
        %get3A_475 = tpu.vector_load %arg5[%get3A_473, %get3A_474] {strides = array<i32>} : memref<200x128xf32, #tpu.memory_space<vmem>>, vector<1x16xf32>,
        %get3A_476 = vector.shape_cast %get3A_475 : vector<1x16xf32> to vector<16xf32>
        %add3A_477 = arith.addf %add3A_468, %get3A_476 : vector<16xf32>
        %mul3A_478 = arith.constant 10 : i32
        %mul3A_479 = arith.muli %scan3A_54, %mul3A_478 : i32
        %add3A_480 = arith.constant 4 : i32
        %add3A_481 = arith.addi %mul3A_479, %add3A_480 : i32
        %get3A_482 = arith.index_cast %add3A_481 : i32 to index
        %get3A_483 = arith.constant 64 : index
        %get3A_484 = tpu.vector_load %arg5[%get3A_482, %get3A_483] {strides = array<i32>} : memref<200x128xf32, #tpu.memory_space<vmem>>, vector<1x16xf32>,
        %get3A_485 = vector.shape_cast %get3A_484 : vector<1x16xf32> to vector<16xf32>
        %add3A_486 = arith.addf %add3A_477, %get3A_485 : vector<16xf32>
        %mul3A_487 = arith.constant 10 : i32
        %mul3A_488 = arith.muli %scan3A_54, %mul3A_487 : i32
        %add3A_489 = arith.constant 5 : i32
        %add3A_490 = arith.addi %mul3A_488, %add3A_489 : i32
        %get3A_491 = arith.index_cast %add3A_490 : i32 to index
        %get3A_492 = arith.constant 64 : index
        %get3A_493 = tpu.vector_load %arg5[%get3A_491, %get3A_492] {strides = array<i32>} : memref<200x128xf32, #tpu.memory_space<vmem>>, vector<1x16xf32>,
        %get3A_494 = vector.shape_cast %get3A_493 : vector<1x16xf32> to vector<16xf32>
        %add3A_495 = arith.addf %add3A_486, %get3A_494 : vector<16xf32>
        %mul3A_496 = arith.constant 10 : i32
        %mul3A_497 = arith.muli %scan3A_54, %mul3A_496 : i32
        %add3A_498 = arith.constant 6 : i32
        %add3A_499 = arith.addi %mul3A_497, %add3A_498 : i32
        %get3A_500 = arith.index_cast %add3A_499 : i32 to index
        %get3A_501 = arith.constant 64 : index
        %get3A_502 = tpu.vector_load %arg5[%get3A_500, %get3A_501] {strides = array<i32>} : memref<200x128xf32, #tpu.memory_space<vmem>>, vector<1x16xf32>,
        %get3A_503 = vector.shape_cast %get3A_502 : vector<1x16xf32> to vector<16xf32>
        %add3A_504 = arith.addf %add3A_495, %get3A_503 : vector<16xf32>
        %mul3A_505 = arith.constant 10 : i32
        %mul3A_506 = arith.muli %scan3A_54, %mul3A_505 : i32
        %add3A_507 = arith.constant 7 : i32
        %add3A_508 = arith.addi %mul3A_506, %add3A_507 : i32
        %get3A_509 = arith.index_cast %add3A_508 : i32 to index
        %get3A_510 = arith.constant 64 : index
        %get3A_511 = tpu.vector_load %arg5[%get3A_509, %get3A_510] {strides = array<i32>} : memref<200x128xf32, #tpu.memory_space<vmem>>, vector<1x16xf32>,
        %get3A_512 = vector.shape_cast %get3A_511 : vector<1x16xf32> to vector<16xf32>
        %add3A_513 = arith.addf %add3A_504, %get3A_512 : vector<16xf32>
        %mul3A_514 = arith.constant 10 : i32
        %mul3A_515 = arith.muli %scan3A_54, %mul3A_514 : i32
        %add3A_516 = arith.constant 8 : i32
        %add3A_517 = arith.addi %mul3A_515, %add3A_516 : i32
        %get3A_518 = arith.index_cast %add3A_517 : i32 to index
        %get3A_519 = arith.constant 64 : index
        %get3A_520 = tpu.vector_load %arg5[%get3A_518, %get3A_519] {strides = array<i32>} : memref<200x128xf32, #tpu.memory_space<vmem>>, vector<1x16xf32>,
        %get3A_521 = vector.shape_cast %get3A_520 : vector<1x16xf32> to vector<16xf32>
        %add3A_522 = arith.addf %add3A_513, %get3A_521 : vector<16xf32>
        %mul3A_523 = arith.constant 10 : i32
        %mul3A_524 = arith.muli %scan3A_54, %mul3A_523 : i32
        %add3A_525 = arith.constant 9 : i32
        %add3A_526 = arith.addi %mul3A_524, %add3A_525 : i32
        %get3A_527 = arith.index_cast %add3A_526 : i32 to index
        %get3A_528 = arith.constant 64 : index
        %get3A_529 = tpu.vector_load %arg5[%get3A_527, %get3A_528] {strides = array<i32>} : memref<200x128xf32, #tpu.memory_space<vmem>>, vector<1x16xf32>,
        %get3A_530 = vector.shape_cast %get3A_529 : vector<1x16xf32> to vector<16xf32>
        %add3A_531 = arith.addf %add3A_522, %get3A_530 : vector<16xf32>
        %mul3A_532 = arith.constant 1.000000e-01 : f32
        %mul3A_533 = vector.broadcast %mul3A_532 : f32 to vector<16xf32>
        %mul3A_534 = arith.mulf %add3A_531, %mul3A_533 : vector<16xf32>
        %mul3A_535 = arith.constant 20 : i32
        %mul3A_536 = arith.muli %add3A_47, %mul3A_535 : i32
        %add3A_537 = arith.addi %mul3A_536, %scan3A_54 : i32
        %swap3A_538 = arith.index_cast %add3A_537 : i32 to index
        %swap3A_539 = arith.constant 64 : index
        %swap3A_540 = tpu.vector_load %arg6[%swap3A_538, %swap3A_539] {strides = array<i32>} : memref<320x128xf32, #tpu.memory_space<vmem>>, vector<1x16xf32>,
        %swap3A_541 = vector.shape_cast %swap3A_540 : vector<1x16xf32> to vector<16xf32>
        %swap3A_542 = vector.shape_cast %mul3A_534 : vector<16xf32> to vector<1x16xf32>
        tpu.vector_store %arg6[%swap3A_538, %swap3A_539], %swap3A_542 {strides = array<i32>} : memref<320x128xf32, #tpu.memory_space<vmem>>, vector<1x16xf32>,
        %mul3A_543 = arith.constant 10 : i32
        %mul3A_544 = arith.muli %scan3A_54, %mul3A_543 : i32
        %get3A_545 = arith.index_cast %mul3A_544 : i32 to index
        %get3A_546 = arith.constant 80 : index
        %get3A_547 = tpu.vector_load %arg5[%get3A_545, %get3A_546] {strides = array<i32>} : memref<200x128xf32, #tpu.memory_space<vmem>>, vector<1x16xf32>,
        %get3A_548 = vector.shape_cast %get3A_547 : vector<1x16xf32> to vector<16xf32>
        %mul3A_549 = arith.constant 10 : i32
        %mul3A_550 = arith.muli %scan3A_54, %mul3A_549 : i32
        %add3A_551 = arith.constant 1 : i32
        %add3A_552 = arith.addi %mul3A_550, %add3A_551 : i32
        %get3A_553 = arith.index_cast %add3A_552 : i32 to index
        %get3A_554 = arith.constant 80 : index
        %get3A_555 = tpu.vector_load %arg5[%get3A_553, %get3A_554] {strides = array<i32>} : memref<200x128xf32, #tpu.memory_space<vmem>>, vector<1x16xf32>,
        %get3A_556 = vector.shape_cast %get3A_555 : vector<1x16xf32> to vector<16xf32>
        %add3A_557 = arith.addf %get3A_548, %get3A_556 : vector<16xf32>
        %mul3A_558 = arith.constant 10 : i32
        %mul3A_559 = arith.muli %scan3A_54, %mul3A_558 : i32
        %add3A_560 = arith.constant 2 : i32
        %add3A_561 = arith.addi %mul3A_559, %add3A_560 : i32
        %get3A_562 = arith.index_cast %add3A_561 : i32 to index
        %get3A_563 = arith.constant 80 : index
        %get3A_564 = tpu.vector_load %arg5[%get3A_562, %get3A_563] {strides = array<i32>} : memref<200x128xf32, #tpu.memory_space<vmem>>, vector<1x16xf32>,
        %get3A_565 = vector.shape_cast %get3A_564 : vector<1x16xf32> to vector<16xf32>
        %add3A_566 = arith.addf %add3A_557, %get3A_565 : vector<16xf32>
        %mul3A_567 = arith.constant 10 : i32
        %mul3A_568 = arith.muli %scan3A_54, %mul3A_567 : i32
        %add3A_569 = arith.constant 3 : i32
        %add3A_570 = arith.addi %mul3A_568, %add3A_569 : i32
        %get3A_571 = arith.index_cast %add3A_570 : i32 to index
        %get3A_572 = arith.constant 80 : index
        %get3A_573 = tpu.vector_load %arg5[%get3A_571, %get3A_572] {strides = array<i32>} : memref<200x128xf32, #tpu.memory_space<vmem>>, vector<1x16xf32>,
        %get3A_574 = vector.shape_cast %get3A_573 : vector<1x16xf32> to vector<16xf32>
        %add3A_575 = arith.addf %add3A_566, %get3A_574 : vector<16xf32>
        %mul3A_576 = arith.constant 10 : i32
        %mul3A_577 = arith.muli %scan3A_54, %mul3A_576 : i32
        %add3A_578 = arith.constant 4 : i32
        %add3A_579 = arith.addi %mul3A_577, %add3A_578 : i32
        %get3A_580 = arith.index_cast %add3A_579 : i32 to index
        %get3A_581 = arith.constant 80 : index
        %get3A_582 = tpu.vector_load %arg5[%get3A_580, %get3A_581] {strides = array<i32>} : memref<200x128xf32, #tpu.memory_space<vmem>>, vector<1x16xf32>,
        %get3A_583 = vector.shape_cast %get3A_582 : vector<1x16xf32> to vector<16xf32>
        %add3A_584 = arith.addf %add3A_575, %get3A_583 : vector<16xf32>
        %mul3A_585 = arith.constant 10 : i32
        %mul3A_586 = arith.muli %scan3A_54, %mul3A_585 : i32
        %add3A_587 = arith.constant 5 : i32
        %add3A_588 = arith.addi %mul3A_586, %add3A_587 : i32
        %get3A_589 = arith.index_cast %add3A_588 : i32 to index
        %get3A_590 = arith.constant 80 : index
        %get3A_591 = tpu.vector_load %arg5[%get3A_589, %get3A_590] {strides = array<i32>} : memref<200x128xf32, #tpu.memory_space<vmem>>, vector<1x16xf32>,
        %get3A_592 = vector.shape_cast %get3A_591 : vector<1x16xf32> to vector<16xf32>
        %add3A_593 = arith.addf %add3A_584, %get3A_592 : vector<16xf32>
        %mul3A_594 = arith.constant 10 : i32
        %mul3A_595 = arith.muli %scan3A_54, %mul3A_594 : i32
        %add3A_596 = arith.constant 6 : i32
        %add3A_597 = arith.addi %mul3A_595, %add3A_596 : i32
        %get3A_598 = arith.index_cast %add3A_597 : i32 to index
        %get3A_599 = arith.constant 80 : index
        %get3A_600 = tpu.vector_load %arg5[%get3A_598, %get3A_599] {strides = array<i32>} : memref<200x128xf32, #tpu.memory_space<vmem>>, vector<1x16xf32>,
        %get3A_601 = vector.shape_cast %get3A_600 : vector<1x16xf32> to vector<16xf32>
        %add3A_602 = arith.addf %add3A_593, %get3A_601 : vector<16xf32>
        %mul3A_603 = arith.constant 10 : i32
        %mul3A_604 = arith.muli %scan3A_54, %mul3A_603 : i32
        %add3A_605 = arith.constant 7 : i32
        %add3A_606 = arith.addi %mul3A_604, %add3A_605 : i32
        %get3A_607 = arith.index_cast %add3A_606 : i32 to index
        %get3A_608 = arith.constant 80 : index
        %get3A_609 = tpu.vector_load %arg5[%get3A_607, %get3A_608] {strides = array<i32>} : memref<200x128xf32, #tpu.memory_space<vmem>>, vector<1x16xf32>,
        %get3A_610 = vector.shape_cast %get3A_609 : vector<1x16xf32> to vector<16xf32>
        %add3A_611 = arith.addf %add3A_602, %get3A_610 : vector<16xf32>
        %mul3A_612 = arith.constant 10 : i32
        %mul3A_613 = arith.muli %scan3A_54, %mul3A_612 : i32
        %add3A_614 = arith.constant 8 : i32
        %add3A_615 = arith.addi %mul3A_613, %add3A_614 : i32
        %get3A_616 = arith.index_cast %add3A_615 : i32 to index
        %get3A_617 = arith.constant 80 : index
        %get3A_618 = tpu.vector_load %arg5[%get3A_616, %get3A_617] {strides = array<i32>} : memref<200x128xf32, #tpu.memory_space<vmem>>, vector<1x16xf32>,
        %get3A_619 = vector.shape_cast %get3A_618 : vector<1x16xf32> to vector<16xf32>
        %add3A_620 = arith.addf %add3A_611, %get3A_619 : vector<16xf32>
        %mul3A_621 = arith.constant 10 : i32
        %mul3A_622 = arith.muli %scan3A_54, %mul3A_621 : i32
        %add3A_623 = arith.constant 9 : i32
        %add3A_624 = arith.addi %mul3A_622, %add3A_623 : i32
        %get3A_625 = arith.index_cast %add3A_624 : i32 to index
        %get3A_626 = arith.constant 80 : index
        %get3A_627 = tpu.vector_load %arg5[%get3A_625, %get3A_626] {strides = array<i32>} : memref<200x128xf32, #tpu.memory_space<vmem>>, vector<1x16xf32>,
        %get3A_628 = vector.shape_cast %get3A_627 : vector<1x16xf32> to vector<16xf32>
        %add3A_629 = arith.addf %add3A_620, %get3A_628 : vector<16xf32>
        %mul3A_630 = arith.constant 1.000000e-01 : f32
        %mul3A_631 = vector.broadcast %mul3A_630 : f32 to vector<16xf32>
        %mul3A_632 = arith.mulf %add3A_629, %mul3A_631 : vector<16xf32>
        %mul3A_633 = arith.constant 20 : i32
        %mul3A_634 = arith.muli %add3A_47, %mul3A_633 : i32
        %add3A_635 = arith.addi %mul3A_634, %scan3A_54 : i32
        %swap3A_636 = arith.index_cast %add3A_635 : i32 to index
        %swap3A_637 = arith.constant 80 : index
        %swap3A_638 = tpu.vector_load %arg6[%swap3A_636, %swap3A_637] {strides = array<i32>} : memref<320x128xf32, #tpu.memory_space<vmem>>, vector<1x16xf32>,
        %swap3A_639 = vector.shape_cast %swap3A_638 : vector<1x16xf32> to vector<16xf32>
        %swap3A_640 = vector.shape_cast %mul3A_632 : vector<16xf32> to vector<1x16xf32>
        tpu.vector_store %arg6[%swap3A_636, %swap3A_637], %swap3A_640 {strides = array<i32>} : memref<320x128xf32, #tpu.memory_space<vmem>>, vector<1x16xf32>,
        %mul3A_641 = arith.constant 10 : i32
        %mul3A_642 = arith.muli %scan3A_54, %mul3A_641 : i32
        %get3A_643 = arith.index_cast %mul3A_642 : i32 to index
        %get3A_644 = arith.constant 96 : index
        %get3A_645 = tpu.vector_load %arg5[%get3A_643, %get3A_644] {strides = array<i32>} : memref<200x128xf32, #tpu.memory_space<vmem>>, vector<1x16xf32>,
        %get3A_646 = vector.shape_cast %get3A_645 : vector<1x16xf32> to vector<16xf32>
        %mul3A_647 = arith.constant 10 : i32
        %mul3A_648 = arith.muli %scan3A_54, %mul3A_647 : i32
        %add3A_649 = arith.constant 1 : i32
        %add3A_650 = arith.addi %mul3A_648, %add3A_649 : i32
        %get3A_651 = arith.index_cast %add3A_650 : i32 to index
        %get3A_652 = arith.constant 96 : index
        %get3A_653 = tpu.vector_load %arg5[%get3A_651, %get3A_652] {strides = array<i32>} : memref<200x128xf32, #tpu.memory_space<vmem>>, vector<1x16xf32>,
        %get3A_654 = vector.shape_cast %get3A_653 : vector<1x16xf32> to vector<16xf32>
        %add3A_655 = arith.addf %get3A_646, %get3A_654 : vector<16xf32>
        %mul3A_656 = arith.constant 10 : i32
        %mul3A_657 = arith.muli %scan3A_54, %mul3A_656 : i32
        %add3A_658 = arith.constant 2 : i32
        %add3A_659 = arith.addi %mul3A_657, %add3A_658 : i32
        %get3A_660 = arith.index_cast %add3A_659 : i32 to index
        %get3A_661 = arith.constant 96 : index
        %get3A_662 = tpu.vector_load %arg5[%get3A_660, %get3A_661] {strides = array<i32>} : memref<200x128xf32, #tpu.memory_space<vmem>>, vector<1x16xf32>,
        %get3A_663 = vector.shape_cast %get3A_662 : vector<1x16xf32> to vector<16xf32>
        %add3A_664 = arith.addf %add3A_655, %get3A_663 : vector<16xf32>
        %mul3A_665 = arith.constant 10 : i32
        %mul3A_666 = arith.muli %scan3A_54, %mul3A_665 : i32
        %add3A_667 = arith.constant 3 : i32
        %add3A_668 = arith.addi %mul3A_666, %add3A_667 : i32
        %get3A_669 = arith.index_cast %add3A_668 : i32 to index
        %get3A_670 = arith.constant 96 : index
        %get3A_671 = tpu.vector_load %arg5[%get3A_669, %get3A_670] {strides = array<i32>} : memref<200x128xf32, #tpu.memory_space<vmem>>, vector<1x16xf32>,
        %get3A_672 = vector.shape_cast %get3A_671 : vector<1x16xf32> to vector<16xf32>
        %add3A_673 = arith.addf %add3A_664, %get3A_672 : vector<16xf32>
        %mul3A_674 = arith.constant 10 : i32
        %mul3A_675 = arith.muli %scan3A_54, %mul3A_674 : i32
        %add3A_676 = arith.constant 4 : i32
        %add3A_677 = arith.addi %mul3A_675, %add3A_676 : i32
        %get3A_678 = arith.index_cast %add3A_677 : i32 to index
        %get3A_679 = arith.constant 96 : index
        %get3A_680 = tpu.vector_load %arg5[%get3A_678, %get3A_679] {strides = array<i32>} : memref<200x128xf32, #tpu.memory_space<vmem>>, vector<1x16xf32>,
        %get3A_681 = vector.shape_cast %get3A_680 : vector<1x16xf32> to vector<16xf32>
        %add3A_682 = arith.addf %add3A_673, %get3A_681 : vector<16xf32>
        %mul3A_683 = arith.constant 10 : i32
        %mul3A_684 = arith.muli %scan3A_54, %mul3A_683 : i32
        %add3A_685 = arith.constant 5 : i32
        %add3A_686 = arith.addi %mul3A_684, %add3A_685 : i32
        %get3A_687 = arith.index_cast %add3A_686 : i32 to index
        %get3A_688 = arith.constant 96 : index
        %get3A_689 = tpu.vector_load %arg5[%get3A_687, %get3A_688] {strides = array<i32>} : memref<200x128xf32, #tpu.memory_space<vmem>>, vector<1x16xf32>,
        %get3A_690 = vector.shape_cast %get3A_689 : vector<1x16xf32> to vector<16xf32>
        %add3A_691 = arith.addf %add3A_682, %get3A_690 : vector<16xf32>
        %mul3A_692 = arith.constant 10 : i32
        %mul3A_693 = arith.muli %scan3A_54, %mul3A_692 : i32
        %add3A_694 = arith.constant 6 : i32
        %add3A_695 = arith.addi %mul3A_693, %add3A_694 : i32
        %get3A_696 = arith.index_cast %add3A_695 : i32 to index
        %get3A_697 = arith.constant 96 : index
        %get3A_698 = tpu.vector_load %arg5[%get3A_696, %get3A_697] {strides = array<i32>} : memref<200x128xf32, #tpu.memory_space<vmem>>, vector<1x16xf32>,
        %get3A_699 = vector.shape_cast %get3A_698 : vector<1x16xf32> to vector<16xf32>
        %add3A_700 = arith.addf %add3A_691, %get3A_699 : vector<16xf32>
        %mul3A_701 = arith.constant 10 : i32
        %mul3A_702 = arith.muli %scan3A_54, %mul3A_701 : i32
        %add3A_703 = arith.constant 7 : i32
        %add3A_704 = arith.addi %mul3A_702, %add3A_703 : i32
        %get3A_705 = arith.index_cast %add3A_704 : i32 to index
        %get3A_706 = arith.constant 96 : index
        %get3A_707 = tpu.vector_load %arg5[%get3A_705, %get3A_706] {strides = array<i32>} : memref<200x128xf32, #tpu.memory_space<vmem>>, vector<1x16xf32>,
        %get3A_708 = vector.shape_cast %get3A_707 : vector<1x16xf32> to vector<16xf32>
        %add3A_709 = arith.addf %add3A_700, %get3A_708 : vector<16xf32>
        %mul3A_710 = arith.constant 10 : i32
        %mul3A_711 = arith.muli %scan3A_54, %mul3A_710 : i32
        %add3A_712 = arith.constant 8 : i32
        %add3A_713 = arith.addi %mul3A_711, %add3A_712 : i32
        %get3A_714 = arith.index_cast %add3A_713 : i32 to index
        %get3A_715 = arith.constant 96 : index
        %get3A_716 = tpu.vector_load %arg5[%get3A_714, %get3A_715] {strides = array<i32>} : memref<200x128xf32, #tpu.memory_space<vmem>>, vector<1x16xf32>,
        %get3A_717 = vector.shape_cast %get3A_716 : vector<1x16xf32> to vector<16xf32>
        %add3A_718 = arith.addf %add3A_709, %get3A_717 : vector<16xf32>
        %mul3A_719 = arith.constant 10 : i32
        %mul3A_720 = arith.muli %scan3A_54, %mul3A_719 : i32
        %add3A_721 = arith.constant 9 : i32
        %add3A_722 = arith.addi %mul3A_720, %add3A_721 : i32
        %get3A_723 = arith.index_cast %add3A_722 : i32 to index
        %get3A_724 = arith.constant 96 : index
        %get3A_725 = tpu.vector_load %arg5[%get3A_723, %get3A_724] {strides = array<i32>} : memref<200x128xf32, #tpu.memory_space<vmem>>, vector<1x16xf32>,
        %get3A_726 = vector.shape_cast %get3A_725 : vector<1x16xf32> to vector<16xf32>
        %add3A_727 = arith.addf %add3A_718, %get3A_726 : vector<16xf32>
        %mul3A_728 = arith.constant 1.000000e-01 : f32
        %mul3A_729 = vector.broadcast %mul3A_728 : f32 to vector<16xf32>
        %mul3A_730 = arith.mulf %add3A_727, %mul3A_729 : vector<16xf32>
        %mul3A_731 = arith.constant 20 : i32
        %mul3A_732 = arith.muli %add3A_47, %mul3A_731 : i32
        %add3A_733 = arith.addi %mul3A_732, %scan3A_54 : i32
        %swap3A_734 = arith.index_cast %add3A_733 : i32 to index
        %swap3A_735 = arith.constant 96 : index
        %swap3A_736 = tpu.vector_load %arg6[%swap3A_734, %swap3A_735] {strides = array<i32>} : memref<320x128xf32, #tpu.memory_space<vmem>>, vector<1x16xf32>,
        %swap3A_737 = vector.shape_cast %swap3A_736 : vector<1x16xf32> to vector<16xf32>
        %swap3A_738 = vector.shape_cast %mul3A_730 : vector<16xf32> to vector<1x16xf32>
        tpu.vector_store %arg6[%swap3A_734, %swap3A_735], %swap3A_738 {strides = array<i32>} : memref<320x128xf32, #tpu.memory_space<vmem>>, vector<1x16xf32>,
        %mul3A_739 = arith.constant 10 : i32
        %mul3A_740 = arith.muli %scan3A_54, %mul3A_739 : i32
        %get3A_741 = arith.index_cast %mul3A_740 : i32 to index
        %get3A_742 = arith.constant 112 : index
        %get3A_743 = tpu.vector_load %arg5[%get3A_741, %get3A_742] {strides = array<i32>} : memref<200x128xf32, #tpu.memory_space<vmem>>, vector<1x16xf32>,
        %get3A_744 = vector.shape_cast %get3A_743 : vector<1x16xf32> to vector<16xf32>
        %mul3A_745 = arith.constant 10 : i32
        %mul3A_746 = arith.muli %scan3A_54, %mul3A_745 : i32
        %add3A_747 = arith.constant 1 : i32
        %add3A_748 = arith.addi %mul3A_746, %add3A_747 : i32
        %get3A_749 = arith.index_cast %add3A_748 : i32 to index
        %get3A_750 = arith.constant 112 : index
        %get3A_751 = tpu.vector_load %arg5[%get3A_749, %get3A_750] {strides = array<i32>} : memref<200x128xf32, #tpu.memory_space<vmem>>, vector<1x16xf32>,
        %get3A_752 = vector.shape_cast %get3A_751 : vector<1x16xf32> to vector<16xf32>
        %add3A_753 = arith.addf %get3A_744, %get3A_752 : vector<16xf32>
        %mul3A_754 = arith.constant 10 : i32
        %mul3A_755 = arith.muli %scan3A_54, %mul3A_754 : i32
        %add3A_756 = arith.constant 2 : i32
        %add3A_757 = arith.addi %mul3A_755, %add3A_756 : i32
        %get3A_758 = arith.index_cast %add3A_757 : i32 to index
        %get3A_759 = arith.constant 112 : index
        %get3A_760 = tpu.vector_load %arg5[%get3A_758, %get3A_759] {strides = array<i32>} : memref<200x128xf32, #tpu.memory_space<vmem>>, vector<1x16xf32>,
        %get3A_761 = vector.shape_cast %get3A_760 : vector<1x16xf32> to vector<16xf32>
        %add3A_762 = arith.addf %add3A_753, %get3A_761 : vector<16xf32>
        %mul3A_763 = arith.constant 10 : i32
        %mul3A_764 = arith.muli %scan3A_54, %mul3A_763 : i32
        %add3A_765 = arith.constant 3 : i32
        %add3A_766 = arith.addi %mul3A_764, %add3A_765 : i32
        %get3A_767 = arith.index_cast %add3A_766 : i32 to index
        %get3A_768 = arith.constant 112 : index
        %get3A_769 = tpu.vector_load %arg5[%get3A_767, %get3A_768] {strides = array<i32>} : memref<200x128xf32, #tpu.memory_space<vmem>>, vector<1x16xf32>,
        %get3A_770 = vector.shape_cast %get3A_769 : vector<1x16xf32> to vector<16xf32>
        %add3A_771 = arith.addf %add3A_762, %get3A_770 : vector<16xf32>
        %mul3A_772 = arith.constant 10 : i32
        %mul3A_773 = arith.muli %scan3A_54, %mul3A_772 : i32
        %add3A_774 = arith.constant 4 : i32
        %add3A_775 = arith.addi %mul3A_773, %add3A_774 : i32
        %get3A_776 = arith.index_cast %add3A_775 : i32 to index
        %get3A_777 = arith.constant 112 : index
        %get3A_778 = tpu.vector_load %arg5[%get3A_776, %get3A_777] {strides = array<i32>} : memref<200x128xf32, #tpu.memory_space<vmem>>, vector<1x16xf32>,
        %get3A_779 = vector.shape_cast %get3A_778 : vector<1x16xf32> to vector<16xf32>
        %add3A_780 = arith.addf %add3A_771, %get3A_779 : vector<16xf32>
        %mul3A_781 = arith.constant 10 : i32
        %mul3A_782 = arith.muli %scan3A_54, %mul3A_781 : i32
        %add3A_783 = arith.constant 5 : i32
        %add3A_784 = arith.addi %mul3A_782, %add3A_783 : i32
        %get3A_785 = arith.index_cast %add3A_784 : i32 to index
        %get3A_786 = arith.constant 112 : index
        %get3A_787 = tpu.vector_load %arg5[%get3A_785, %get3A_786] {strides = array<i32>} : memref<200x128xf32, #tpu.memory_space<vmem>>, vector<1x16xf32>,
        %get3A_788 = vector.shape_cast %get3A_787 : vector<1x16xf32> to vector<16xf32>
        %add3A_789 = arith.addf %add3A_780, %get3A_788 : vector<16xf32>
        %mul3A_790 = arith.constant 10 : i32
        %mul3A_791 = arith.muli %scan3A_54, %mul3A_790 : i32
        %add3A_792 = arith.constant 6 : i32
        %add3A_793 = arith.addi %mul3A_791, %add3A_792 : i32
        %get3A_794 = arith.index_cast %add3A_793 : i32 to index
        %get3A_795 = arith.constant 112 : index
        %get3A_796 = tpu.vector_load %arg5[%get3A_794, %get3A_795] {strides = array<i32>} : memref<200x128xf32, #tpu.memory_space<vmem>>, vector<1x16xf32>,
        %get3A_797 = vector.shape_cast %get3A_796 : vector<1x16xf32> to vector<16xf32>
        %add3A_798 = arith.addf %add3A_789, %get3A_797 : vector<16xf32>
        %mul3A_799 = arith.constant 10 : i32
        %mul3A_800 = arith.muli %scan3A_54, %mul3A_799 : i32
        %add3A_801 = arith.constant 7 : i32
        %add3A_802 = arith.addi %mul3A_800, %add3A_801 : i32
        %get3A_803 = arith.index_cast %add3A_802 : i32 to index
        %get3A_804 = arith.constant 112 : index
        %get3A_805 = tpu.vector_load %arg5[%get3A_803, %get3A_804] {strides = array<i32>} : memref<200x128xf32, #tpu.memory_space<vmem>>, vector<1x16xf32>,
        %get3A_806 = vector.shape_cast %get3A_805 : vector<1x16xf32> to vector<16xf32>
        %add3A_807 = arith.addf %add3A_798, %get3A_806 : vector<16xf32>
        %mul3A_808 = arith.constant 10 : i32
        %mul3A_809 = arith.muli %scan3A_54, %mul3A_808 : i32
        %add3A_810 = arith.constant 8 : i32
        %add3A_811 = arith.addi %mul3A_809, %add3A_810 : i32
        %get3A_812 = arith.index_cast %add3A_811 : i32 to index
        %get3A_813 = arith.constant 112 : index
        %get3A_814 = tpu.vector_load %arg5[%get3A_812, %get3A_813] {strides = array<i32>} : memref<200x128xf32, #tpu.memory_space<vmem>>, vector<1x16xf32>,
        %get3A_815 = vector.shape_cast %get3A_814 : vector<1x16xf32> to vector<16xf32>
        %add3A_816 = arith.addf %add3A_807, %get3A_815 : vector<16xf32>
        %mul3A_817 = arith.constant 10 : i32
        %mul3A_818 = arith.muli %scan3A_54, %mul3A_817 : i32
        %add3A_819 = arith.constant 9 : i32
        %add3A_820 = arith.addi %mul3A_818, %add3A_819 : i32
        %get3A_821 = arith.index_cast %add3A_820 : i32 to index
        %get3A_822 = arith.constant 112 : index
        %get3A_823 = tpu.vector_load %arg5[%get3A_821, %get3A_822] {strides = array<i32>} : memref<200x128xf32, #tpu.memory_space<vmem>>, vector<1x16xf32>,
        %get3A_824 = vector.shape_cast %get3A_823 : vector<1x16xf32> to vector<16xf32>
        %add3A_825 = arith.addf %add3A_816, %get3A_824 : vector<16xf32>
        %mul3A_826 = arith.constant 1.000000e-01 : f32
        %mul3A_827 = vector.broadcast %mul3A_826 : f32 to vector<16xf32>
        %mul3A_828 = arith.mulf %add3A_825, %mul3A_827 : vector<16xf32>
        %mul3A_829 = arith.constant 20 : i32
        %mul3A_830 = arith.muli %add3A_47, %mul3A_829 : i32
        %add3A_831 = arith.addi %mul3A_830, %scan3A_54 : i32
        %swap3A_832 = arith.index_cast %add3A_831 : i32 to index
        %swap3A_833 = arith.constant 112 : index
        %swap3A_834 = tpu.vector_load %arg6[%swap3A_832, %swap3A_833] {strides = array<i32>} : memref<320x128xf32, #tpu.memory_space<vmem>>, vector<1x16xf32>,
        %swap3A_835 = vector.shape_cast %swap3A_834 : vector<1x16xf32> to vector<16xf32>
        %swap3A_836 = vector.shape_cast %mul3A_828 : vector<16xf32> to vector<1x16xf32>
        tpu.vector_store %arg6[%swap3A_832, %swap3A_833], %swap3A_836 {strides = array<i32>} : memref<320x128xf32, #tpu.memory_space<vmem>>, vector<1x16xf32>,
      }
      %scan3A_53 = arith.constant 20 : i32
    }
    %scan3A_12 = arith.constant 8 : i32
    %mul3A_13 = arith.constant 320 : i32
    %mul3A_14 = arith.muli %add3A, %mul3A_13 : i32
    "tpu.region"() ({
      %run_scoped3A = tpu.sem_alloc : memref<!tpu.dma_semaphore, #tpu.memory_space<semaphore_mem>>
      %dma_start3A_15 = arith.constant 0 : i32
      %dma_start3A_16 = tpu.memref_slice %arg3[%mul3A_14, %dma_start3A_15] : memref<10240x128xf32, #tpu.memory_space<hbm>> -> memref<320x128xf32, #tpu.memory_space<hbm>>
      %dma_start3A_17 = arith.constant 0 : i32
      %dma_start3A_18 = tpu.memref_slice %arg3[%mul3A_14, %dma_start3A_17] : memref<10240x128xf32, #tpu.memory_space<hbm>> -> memref<320x128xf32, #tpu.memory_space<hbm>>
      tpu.enqueue_dma source(%arg6 : memref<320x128xf32, #tpu.memory_space<vmem>>) target(%dma_start3A_18 : memref<320x128xf32, #tpu.memory_space<hbm>>) target_semaphore(%run_scoped3A : memref<!tpu.dma_semaphore, #tpu.memory_space<semaphore_mem>>)
      %dma_wait3A = arith.constant 0 : i32
      %dma_wait3A_19 = tpu.memref_slice %arg3[%mul3A_14, %dma_wait3A] : memref<10240x128xf32, #tpu.memory_space<hbm>> -> memref<320x128xf32, #tpu.memory_space<hbm>>
      %dma_wait3A_20 = arith.constant 0 : i32
      %dma_wait3A_21 = tpu.memref_slice %arg3[%mul3A_14, %dma_wait3A_20] : memref<10240x128xf32, #tpu.memory_space<hbm>> -> memref<320x128xf32, #tpu.memory_space<hbm>>
      tpu.wait_dma2 semaphore(%run_scoped3A : memref<!tpu.dma_semaphore, #tpu.memory_space<semaphore_mem>>) src(%arg6 : memref<320x128xf32, #tpu.memory_space<vmem>>) dst(%dma_wait3A_21 : memref<320x128xf32, #tpu.memory_space<hbm>>)
      tpu.yield
    }) : () -> ()
    return
  }
}

module attributes {stable_mosaic.version = 14 : i64} {
  func.func @_body_raw(%arg0: i32, %arg1: memref<64x128xf32, #tpu.memory_space<vmem>>, %arg2: memref<1280x128xf32, #tpu.memory_space<vmem>>, %arg3: memref<12800x128xf32, #tpu.memory_space<vmem>>, %arg4: memref<128x64xf32, #tpu.memory_space<vmem>>, %arg5: memref<128x64xf32, #tpu.memory_space<vmem>>, %arg6: memref<64x32xf32, #tpu.memory_space<vmem>>, %arg7: memref<64x32xf32, #tpu.memory_space<vmem>>, %arg8: memref<64x32xf32, #tpu.memory_space<vmem>>) attributes {dimension_semantics = [#tpu.dimension_semantics<arbitrary>], iteration_bounds = array<i64: 8>, scalar_prefetch = 0 : i64, scratch_operands = 0 : i64, tpu.core_type = #tpu.core_type<tc>, window_params = [{transform_indices = @transform_0, window_bounds = array<i64: 64, 128>}, {transform_indices = @transform_1, window_bounds = array<i64: 1280, 128>}, {transform_indices = @transform_2, window_bounds = array<i64: 12800, 128>}, {pipeline_mode = #tpu.pipeline_mode<synchronous>, transform_indices = @transform_3, window_bounds = array<i64: 128, 64>}, {pipeline_mode = #tpu.pipeline_mode<synchronous>, transform_indices = @transform_4, window_bounds = array<i64: 128, 64>}, {pipeline_mode = #tpu.pipeline_mode<synchronous>, transform_indices = @transform_5, window_bounds = array<i64: 64, 32>}, {pipeline_mode = #tpu.pipeline_mode<synchronous>, transform_indices = @transform_6, window_bounds = array<i64: 64, 32>}, {transform_indices = @transform_7, window_bounds = array<i64: 64, 32>}]} {
    %get3A = arith.constant 0 : index
    %get3A_0 = arith.constant 0 : index
    %get3A_1 = vector.load %arg4[%get3A, %get3A_0] : memref<128x64xf32, #tpu.memory_space<vmem>>, vector<128x64xf32>
    %get3A_2 = arith.constant 0 : index
    %get3A_3 = arith.constant 0 : index
    %get3A_4 = vector.load %arg5[%get3A_2, %get3A_3] : memref<128x64xf32, #tpu.memory_space<vmem>>, vector<128x64xf32>
    %get3A_5 = arith.constant 0 : index
    %get3A_6 = arith.constant 0 : index
    %get3A_7 = vector.load %arg6[%get3A_5, %get3A_6] : memref<64x32xf32, #tpu.memory_space<vmem>>, vector<64x32xf32>
    %get3A_8 = arith.constant 0 : index
    %get3A_9 = arith.constant 0 : index
    %get3A_10 = vector.load %arg7[%get3A_8, %get3A_9] : memref<64x32xf32, #tpu.memory_space<vmem>>, vector<64x32xf32>
    %get3A_11 = arith.constant 0 : index
    %get3A_12 = arith.constant 0 : index
    %get3A_13 = vector.load %arg3[%get3A_11, %get3A_12] : memref<12800x128xf32, #tpu.memory_space<vmem>>, vector<12800x128xf32>
    %reshape3A = vector.shape_cast %get3A_13 : vector<12800x128xf32> to vector<20x640x128xf32>
    %iota3A = tpu.iota {dimensions = array<i32: 2>} : vector<20x64x640xi32>
    %iota3A_14 = tpu.iota {dimensions = array<i32: 1>} : vector<20x64x640xi32>
    %jit3A = arith.constant 10 : i32
    %div3A = vector.broadcast %jit3A : i32 to vector<20x64x640xi32>
    %div3A_15 = arith.divsi %iota3A, %div3A : vector<20x64x640xi32>
    %sign3A = arith.constant 0 : i32
    %sign3A_16 = vector.broadcast %sign3A : i32 to vector<20x64x640xi32>
    %sign3A_17 = arith.cmpi sgt, %iota3A, %sign3A_16 : vector<20x64x640xi32>
    %sign3A_18 = arith.extui %sign3A_17 : vector<20x64x640xi1> to vector<20x64x640xi32>
    %sign3A_19 = arith.constant 0 : i32
    %sign3A_20 = vector.broadcast %sign3A_19 : i32 to vector<20x64x640xi32>
    %sign3A_21 = arith.cmpi slt, %iota3A, %sign3A_20 : vector<20x64x640xi32>
    %sign3A_22 = arith.extui %sign3A_21 : vector<20x64x640xi1> to vector<20x64x640xi32>
    %sign3A_23 = arith.subi %sign3A_18, %sign3A_22 : vector<20x64x640xi32>
    %sign3A_24 = arith.constant 0 : i32
    %sign3A_25 = arith.cmpi sgt, %jit3A, %sign3A_24 : i32
    %sign3A_26 = arith.extui %sign3A_25 : i1 to i32
    %sign3A_27 = arith.constant 0 : i32
    %sign3A_28 = arith.cmpi slt, %jit3A, %sign3A_27 : i32
    %sign3A_29 = arith.extui %sign3A_28 : i1 to i32
    %sign3A_30 = arith.subi %sign3A_26, %sign3A_29 : i32
    %ne3A = vector.broadcast %sign3A_30 : i32 to vector<20x64x640xi32>
    %ne3A_31 = arith.cmpi ne, %sign3A_23, %ne3A : vector<20x64x640xi32>
    %rem3A = vector.broadcast %jit3A : i32 to vector<20x64x640xi32>
    %rem3A_32 = arith.remsi %iota3A, %rem3A : vector<20x64x640xi32>
    %ne3A_33 = arith.constant 0 : i32
    %ne3A_34 = vector.broadcast %ne3A_33 : i32 to vector<20x64x640xi32>
    %ne3A_35 = arith.cmpi ne, %rem3A_32, %ne3A_34 : vector<20x64x640xi32>
    %and3A = arith.andi %ne3A_31, %ne3A_35 : vector<20x64x640xi1>
    %sub3A = arith.constant 1 : i32
    %sub3A_36 = vector.broadcast %sub3A : i32 to vector<20x64x640xi32>
    %sub3A_37 = arith.subi %div3A_15, %sub3A_36 : vector<20x64x640xi32>
    %select_n3A = arith.select %and3A, %sub3A_37, %div3A_15 : vector<20x64x640xi1>, vector<20x64x640xi32>
    %eq3A = arith.cmpi eq, %select_n3A, %iota3A_14 : vector<20x64x640xi32>
    %jit3A_38 = arith.constant 1.000000e+00 : f32
    %jit3A_39 = arith.constant 0.000000e+00 : f32
    %broadcast_in_dim3A = vector.broadcast %jit3A_38 : f32 to vector<20x64x640xf32>
    %broadcast_in_dim3A_40 = vector.broadcast %jit3A_39 : f32 to vector<20x64x640xf32>
    %select_n3A_41 = arith.select %eq3A, %broadcast_in_dim3A, %broadcast_in_dim3A_40 : vector<20x64x640xi1>, vector<20x64x640xf32>
    %dot_general3A = arith.constant dense<0.000000e+00> : vector<20x64x128xf32>
    %dot_general3A_42 = tpu.matmul %select_n3A_41, %reshape3A, %dot_general3A {dimension_numbers = #tpu.dot_dimension_numbers<[2], [1], [1], [2], [0, 0, 0, 1, 1, 2], [0], [0]>, transpose_lhs_hint = false} : vector<20x64x640xf32>, vector<20x640x128xf32>, vector<20x64x128xf32> -> vector<20x64x128xf32>
    %reshape3A_43 = vector.shape_cast %dot_general3A_42 : vector<20x64x128xf32> to vector<1280x128xf32>
    %mul3A = arith.constant 1.000000e-01 : f32
    %mul3A_44 = vector.broadcast %mul3A : f32 to vector<1280x128xf32>
    %mul3A_45 = arith.mulf %reshape3A_43, %mul3A_44 : vector<1280x128xf32>
    %get3A_46 = arith.constant 0 : index
    %get3A_47 = arith.constant 0 : index
    %get3A_48 = vector.load %arg1[%get3A_46, %get3A_47] : memref<64x128xf32, #tpu.memory_space<vmem>>, vector<64x128xf32>
    %get3A_49 = arith.constant 0 : index
    %get3A_50 = arith.constant 0 : index
    %get3A_51 = vector.load %arg2[%get3A_49, %get3A_50] : memref<1280x128xf32, #tpu.memory_space<vmem>>, vector<1280x128xf32>
    %dot_general3A_52 = arith.constant dense<0.000000e+00> : vector<1280x64xf32>
    %dot_general3A_53 = tpu.matmul %get3A_51, %get3A_1, %dot_general3A_52 {dimension_numbers = #tpu.dot_dimension_numbers<[1], [0], [0], [1], [0, 0, 1, 1], [], []>, transpose_lhs_hint = false} : vector<1280x128xf32>, vector<128x64xf32>, vector<1280x64xf32> -> vector<1280x64xf32>
    %dot_general3A_54 = arith.constant dense<0.000000e+00> : vector<1280x64xf32>
    %dot_general3A_55 = tpu.matmul %mul3A_45, %get3A_4, %dot_general3A_54 {dimension_numbers = #tpu.dot_dimension_numbers<[1], [0], [0], [1], [0, 0, 1, 1], [], []>, transpose_lhs_hint = false} : vector<1280x128xf32>, vector<128x64xf32>, vector<1280x64xf32> -> vector<1280x64xf32>
    %add3A = arith.addf %dot_general3A_53, %dot_general3A_55 : vector<1280x64xf32>
    %max3A = arith.constant 0.000000e+00 : f32
    %max3A_56 = vector.broadcast %max3A : f32 to vector<1280x64xf32>
    %max3A_57 = arith.maximumf %add3A, %max3A_56 : vector<1280x64xf32>
    %reshape3A_58 = vector.shape_cast %get3A_51 : vector<1280x128xf32> to vector<8x160x128xf32>
    %iota3A_59 = tpu.iota {dimensions = array<i32: 2>} : vector<8x8x160xi32>
    %iota3A_60 = tpu.iota {dimensions = array<i32: 1>} : vector<8x8x160xi32>
    %jit3A_61 = arith.constant 20 : i32
    %div3A_62 = vector.broadcast %jit3A_61 : i32 to vector<8x8x160xi32>
    %div3A_63 = arith.divsi %iota3A_59, %div3A_62 : vector<8x8x160xi32>
    %sign3A_64 = arith.constant 0 : i32
    %sign3A_65 = vector.broadcast %sign3A_64 : i32 to vector<8x8x160xi32>
    %sign3A_66 = arith.cmpi sgt, %iota3A_59, %sign3A_65 : vector<8x8x160xi32>
    %sign3A_67 = arith.extui %sign3A_66 : vector<8x8x160xi1> to vector<8x8x160xi32>
    %sign3A_68 = arith.constant 0 : i32
    %sign3A_69 = vector.broadcast %sign3A_68 : i32 to vector<8x8x160xi32>
    %sign3A_70 = arith.cmpi slt, %iota3A_59, %sign3A_69 : vector<8x8x160xi32>
    %sign3A_71 = arith.extui %sign3A_70 : vector<8x8x160xi1> to vector<8x8x160xi32>
    %sign3A_72 = arith.subi %sign3A_67, %sign3A_71 : vector<8x8x160xi32>
    %sign3A_73 = arith.constant 0 : i32
    %sign3A_74 = arith.cmpi sgt, %jit3A_61, %sign3A_73 : i32
    %sign3A_75 = arith.extui %sign3A_74 : i1 to i32
    %sign3A_76 = arith.constant 0 : i32
    %sign3A_77 = arith.cmpi slt, %jit3A_61, %sign3A_76 : i32
    %sign3A_78 = arith.extui %sign3A_77 : i1 to i32
    %sign3A_79 = arith.subi %sign3A_75, %sign3A_78 : i32
    %ne3A_80 = vector.broadcast %sign3A_79 : i32 to vector<8x8x160xi32>
    %ne3A_81 = arith.cmpi ne, %sign3A_72, %ne3A_80 : vector<8x8x160xi32>
    %rem3A_82 = vector.broadcast %jit3A_61 : i32 to vector<8x8x160xi32>
    %rem3A_83 = arith.remsi %iota3A_59, %rem3A_82 : vector<8x8x160xi32>
    %ne3A_84 = arith.constant 0 : i32
    %ne3A_85 = vector.broadcast %ne3A_84 : i32 to vector<8x8x160xi32>
    %ne3A_86 = arith.cmpi ne, %rem3A_83, %ne3A_85 : vector<8x8x160xi32>
    %and3A_87 = arith.andi %ne3A_81, %ne3A_86 : vector<8x8x160xi1>
    %sub3A_88 = arith.constant 1 : i32
    %sub3A_89 = vector.broadcast %sub3A_88 : i32 to vector<8x8x160xi32>
    %sub3A_90 = arith.subi %div3A_63, %sub3A_89 : vector<8x8x160xi32>
    %select_n3A_91 = arith.select %and3A_87, %sub3A_90, %div3A_63 : vector<8x8x160xi1>, vector<8x8x160xi32>
    %eq3A_92 = arith.cmpi eq, %select_n3A_91, %iota3A_60 : vector<8x8x160xi32>
    %jit3A_93 = arith.constant 1.000000e+00 : f32
    %jit3A_94 = arith.constant 0.000000e+00 : f32
    %broadcast_in_dim3A_95 = vector.broadcast %jit3A_93 : f32 to vector<8x8x160xf32>
    %broadcast_in_dim3A_96 = vector.broadcast %jit3A_94 : f32 to vector<8x8x160xf32>
    %select_n3A_97 = arith.select %eq3A_92, %broadcast_in_dim3A_95, %broadcast_in_dim3A_96 : vector<8x8x160xi1>, vector<8x8x160xf32>
    %dot_general3A_98 = arith.constant dense<0.000000e+00> : vector<8x8x128xf32>
    %dot_general3A_99 = tpu.matmul %select_n3A_97, %reshape3A_58, %dot_general3A_98 {dimension_numbers = #tpu.dot_dimension_numbers<[2], [1], [1], [2], [0, 0, 0, 1, 1, 2], [0], [0]>, transpose_lhs_hint = false} : vector<8x8x160xf32>, vector<8x160x128xf32>, vector<8x8x128xf32> -> vector<8x8x128xf32>
    %reshape3A_100 = vector.shape_cast %dot_general3A_99 : vector<8x8x128xf32> to vector<64x128xf32>
    %mul3A_101 = arith.constant 5.000000e-02 : f32
    %mul3A_102 = vector.broadcast %mul3A_101 : f32 to vector<64x128xf32>
    %mul3A_103 = arith.mulf %reshape3A_100, %mul3A_102 : vector<64x128xf32>
    %dot_general3A_104 = arith.constant dense<0.000000e+00> : vector<64x64xf32>
    %dot_general3A_105 = tpu.matmul %get3A_48, %get3A_1, %dot_general3A_104 {dimension_numbers = #tpu.dot_dimension_numbers<[1], [0], [0], [1], [0, 0, 1, 1], [], []>, transpose_lhs_hint = false} : vector<64x128xf32>, vector<128x64xf32>, vector<64x64xf32> -> vector<64x64xf32>
    %dot_general3A_106 = arith.constant dense<0.000000e+00> : vector<64x64xf32>
    %dot_general3A_107 = tpu.matmul %mul3A_103, %get3A_4, %dot_general3A_106 {dimension_numbers = #tpu.dot_dimension_numbers<[1], [0], [0], [1], [0, 0, 1, 1], [], []>, transpose_lhs_hint = false} : vector<64x128xf32>, vector<128x64xf32>, vector<64x64xf32> -> vector<64x64xf32>
    %add3A_108 = arith.addf %dot_general3A_105, %dot_general3A_107 : vector<64x64xf32>
    %max3A_109 = arith.constant 0.000000e+00 : f32
    %max3A_110 = vector.broadcast %max3A_109 : f32 to vector<64x64xf32>
    %max3A_111 = arith.maximumf %add3A_108, %max3A_110 : vector<64x64xf32>
    %reshape3A_112 = vector.shape_cast %max3A_57 : vector<1280x64xf32> to vector<8x160x64xf32>
    %iota3A_113 = tpu.iota {dimensions = array<i32: 2>} : vector<8x8x160xi32>
    %iota3A_114 = tpu.iota {dimensions = array<i32: 1>} : vector<8x8x160xi32>
    %jit3A_115 = arith.constant 20 : i32
    %div3A_116 = vector.broadcast %jit3A_115 : i32 to vector<8x8x160xi32>
    %div3A_117 = arith.divsi %iota3A_113, %div3A_116 : vector<8x8x160xi32>
    %sign3A_118 = arith.constant 0 : i32
    %sign3A_119 = vector.broadcast %sign3A_118 : i32 to vector<8x8x160xi32>
    %sign3A_120 = arith.cmpi sgt, %iota3A_113, %sign3A_119 : vector<8x8x160xi32>
    %sign3A_121 = arith.extui %sign3A_120 : vector<8x8x160xi1> to vector<8x8x160xi32>
    %sign3A_122 = arith.constant 0 : i32
    %sign3A_123 = vector.broadcast %sign3A_122 : i32 to vector<8x8x160xi32>
    %sign3A_124 = arith.cmpi slt, %iota3A_113, %sign3A_123 : vector<8x8x160xi32>
    %sign3A_125 = arith.extui %sign3A_124 : vector<8x8x160xi1> to vector<8x8x160xi32>
    %sign3A_126 = arith.subi %sign3A_121, %sign3A_125 : vector<8x8x160xi32>
    %sign3A_127 = arith.constant 0 : i32
    %sign3A_128 = arith.cmpi sgt, %jit3A_115, %sign3A_127 : i32
    %sign3A_129 = arith.extui %sign3A_128 : i1 to i32
    %sign3A_130 = arith.constant 0 : i32
    %sign3A_131 = arith.cmpi slt, %jit3A_115, %sign3A_130 : i32
    %sign3A_132 = arith.extui %sign3A_131 : i1 to i32
    %sign3A_133 = arith.subi %sign3A_129, %sign3A_132 : i32
    %ne3A_134 = vector.broadcast %sign3A_133 : i32 to vector<8x8x160xi32>
    %ne3A_135 = arith.cmpi ne, %sign3A_126, %ne3A_134 : vector<8x8x160xi32>
    %rem3A_136 = vector.broadcast %jit3A_115 : i32 to vector<8x8x160xi32>
    %rem3A_137 = arith.remsi %iota3A_113, %rem3A_136 : vector<8x8x160xi32>
    %ne3A_138 = arith.constant 0 : i32
    %ne3A_139 = vector.broadcast %ne3A_138 : i32 to vector<8x8x160xi32>
    %ne3A_140 = arith.cmpi ne, %rem3A_137, %ne3A_139 : vector<8x8x160xi32>
    %and3A_141 = arith.andi %ne3A_135, %ne3A_140 : vector<8x8x160xi1>
    %sub3A_142 = arith.constant 1 : i32
    %sub3A_143 = vector.broadcast %sub3A_142 : i32 to vector<8x8x160xi32>
    %sub3A_144 = arith.subi %div3A_117, %sub3A_143 : vector<8x8x160xi32>
    %select_n3A_145 = arith.select %and3A_141, %sub3A_144, %div3A_117 : vector<8x8x160xi1>, vector<8x8x160xi32>
    %eq3A_146 = arith.cmpi eq, %select_n3A_145, %iota3A_114 : vector<8x8x160xi32>
    %jit3A_147 = arith.constant 1.000000e+00 : f32
    %jit3A_148 = arith.constant 0.000000e+00 : f32
    %broadcast_in_dim3A_149 = vector.broadcast %jit3A_147 : f32 to vector<8x8x160xf32>
    %broadcast_in_dim3A_150 = vector.broadcast %jit3A_148 : f32 to vector<8x8x160xf32>
    %select_n3A_151 = arith.select %eq3A_146, %broadcast_in_dim3A_149, %broadcast_in_dim3A_150 : vector<8x8x160xi1>, vector<8x8x160xf32>
    %dot_general3A_152 = arith.constant dense<0.000000e+00> : vector<8x8x64xf32>
    %dot_general3A_153 = tpu.matmul %select_n3A_151, %reshape3A_112, %dot_general3A_152 {dimension_numbers = #tpu.dot_dimension_numbers<[2], [1], [1], [2], [0, 0, 0, 1, 1, 2], [0], [0]>, transpose_lhs_hint = false} : vector<8x8x160xf32>, vector<8x160x64xf32>, vector<8x8x64xf32> -> vector<8x8x64xf32>
    %reshape3A_154 = vector.shape_cast %dot_general3A_153 : vector<8x8x64xf32> to vector<64x64xf32>
    %mul3A_155 = arith.constant 5.000000e-02 : f32
    %mul3A_156 = vector.broadcast %mul3A_155 : f32 to vector<64x64xf32>
    %mul3A_157 = arith.mulf %reshape3A_154, %mul3A_156 : vector<64x64xf32>
    %dot_general3A_158 = arith.constant dense<0.000000e+00> : vector<64x32xf32>
    %dot_general3A_159 = tpu.matmul %max3A_111, %get3A_7, %dot_general3A_158 {dimension_numbers = #tpu.dot_dimension_numbers<[1], [0], [0], [1], [0, 0, 1, 1], [], []>, transpose_lhs_hint = false} : vector<64x64xf32>, vector<64x32xf32>, vector<64x32xf32> -> vector<64x32xf32>
    %dot_general3A_160 = arith.constant dense<0.000000e+00> : vector<64x32xf32>
    %dot_general3A_161 = tpu.matmul %mul3A_157, %get3A_10, %dot_general3A_160 {dimension_numbers = #tpu.dot_dimension_numbers<[1], [0], [0], [1], [0, 0, 1, 1], [], []>, transpose_lhs_hint = false} : vector<64x64xf32>, vector<64x32xf32>, vector<64x32xf32> -> vector<64x32xf32>
    %add3A_162 = arith.addf %dot_general3A_159, %dot_general3A_161 : vector<64x32xf32>
    %max3A_163 = arith.constant 0.000000e+00 : f32
    %max3A_164 = vector.broadcast %max3A_163 : f32 to vector<64x32xf32>
    %max3A_165 = arith.maximumf %add3A_162, %max3A_164 : vector<64x32xf32>
    %swap3A = arith.constant 0 : index
    %swap3A_166 = arith.constant 0 : index
    %swap3A_167 = vector.load %arg8[%swap3A, %swap3A_166] : memref<64x32xf32, #tpu.memory_space<vmem>>, vector<64x32xf32>
    tpu.vector_store %arg8[%swap3A, %swap3A_166], %max3A_165 {strides = array<i32>} : memref<64x32xf32, #tpu.memory_space<vmem>>, vector<64x32xf32>,
    return
  }
  func.func @transform_0(%arg0: i32) -> (i32, i32) {
    %c0_i32 = arith.constant 0 : i32
    %c0_i32_0 = arith.constant 0 : i32
    return %arg0, %c0_i32 : i32, i32
  }
  func.func @transform_1(%arg0: i32) -> (i32, i32) {
    %c0_i32 = arith.constant 0 : i32
    %c0_i32_0 = arith.constant 0 : i32
    return %arg0, %c0_i32 : i32, i32
  }
  func.func @transform_2(%arg0: i32) -> (i32, i32) {
    %c0_i32 = arith.constant 0 : i32
    %c0_i32_0 = arith.constant 0 : i32
    return %arg0, %c0_i32 : i32, i32
  }
  func.func @transform_3(%arg0: i32) -> (i32, i32) {
    %c0_i32 = arith.constant 0 : i32
    %c0_i32_0 = arith.constant 0 : i32
    %c0_i32_1 = arith.constant 0 : i32
    return %c0_i32, %c0_i32_0 : i32, i32
  }
  func.func @transform_4(%arg0: i32) -> (i32, i32) {
    %c0_i32 = arith.constant 0 : i32
    %c0_i32_0 = arith.constant 0 : i32
    %c0_i32_1 = arith.constant 0 : i32
    return %c0_i32, %c0_i32_0 : i32, i32
  }
  func.func @transform_5(%arg0: i32) -> (i32, i32) {
    %c0_i32 = arith.constant 0 : i32
    %c0_i32_0 = arith.constant 0 : i32
    %c0_i32_1 = arith.constant 0 : i32
    return %c0_i32, %c0_i32_0 : i32, i32
  }
  func.func @transform_6(%arg0: i32) -> (i32, i32) {
    %c0_i32 = arith.constant 0 : i32
    %c0_i32_0 = arith.constant 0 : i32
    %c0_i32_1 = arith.constant 0 : i32
    return %c0_i32, %c0_i32_0 : i32, i32
  }
  func.func @transform_7(%arg0: i32) -> (i32, i32) {
    %c0_i32 = arith.constant 0 : i32
    %c0_i32_0 = arith.constant 0 : i32
    return %arg0, %c0_i32 : i32, i32
  }
}

module attributes {stable_mosaic.version = 14 : i64} {
  func.func @_body_pre(%arg0: i32, %arg1: memref<64x128xf32, #tpu.memory_space<vmem>>, %arg2: memref<1280x128xf32, #tpu.memory_space<vmem>>, %arg3: memref<1280x128xf32, #tpu.memory_space<vmem>>, %arg4: memref<128x64xf32, #tpu.memory_space<vmem>>, %arg5: memref<128x64xf32, #tpu.memory_space<vmem>>, %arg6: memref<64x32xf32, #tpu.memory_space<vmem>>, %arg7: memref<64x32xf32, #tpu.memory_space<vmem>>, %arg8: memref<64x32xf32, #tpu.memory_space<vmem>>) attributes {dimension_semantics = [#tpu.dimension_semantics<arbitrary>], iteration_bounds = array<i64: 8>, scalar_prefetch = 0 : i64, scratch_operands = 0 : i64, tpu.core_type = #tpu.core_type<tc>, window_params = [{transform_indices = @transform_0, window_bounds = array<i64: 64, 128>}, {transform_indices = @transform_1, window_bounds = array<i64: 1280, 128>}, {transform_indices = @transform_2, window_bounds = array<i64: 1280, 128>}, {pipeline_mode = #tpu.pipeline_mode<synchronous>, transform_indices = @transform_3, window_bounds = array<i64: 128, 64>}, {pipeline_mode = #tpu.pipeline_mode<synchronous>, transform_indices = @transform_4, window_bounds = array<i64: 128, 64>}, {pipeline_mode = #tpu.pipeline_mode<synchronous>, transform_indices = @transform_5, window_bounds = array<i64: 64, 32>}, {pipeline_mode = #tpu.pipeline_mode<synchronous>, transform_indices = @transform_6, window_bounds = array<i64: 64, 32>}, {transform_indices = @transform_7, window_bounds = array<i64: 64, 32>}]} {
    %get3A = arith.constant 0 : index
    %get3A_0 = arith.constant 0 : index
    %get3A_1 = vector.load %arg1[%get3A, %get3A_0] : memref<64x128xf32, #tpu.memory_space<vmem>>, vector<64x128xf32>
    %get3A_2 = arith.constant 0 : index
    %get3A_3 = arith.constant 0 : index
    %get3A_4 = vector.load %arg2[%get3A_2, %get3A_3] : memref<1280x128xf32, #tpu.memory_space<vmem>>, vector<1280x128xf32>
    %get3A_5 = arith.constant 0 : index
    %get3A_6 = arith.constant 0 : index
    %get3A_7 = vector.load %arg3[%get3A_5, %get3A_6] : memref<1280x128xf32, #tpu.memory_space<vmem>>, vector<1280x128xf32>
    %get3A_8 = arith.constant 0 : index
    %get3A_9 = arith.constant 0 : index
    %get3A_10 = vector.load %arg4[%get3A_8, %get3A_9] : memref<128x64xf32, #tpu.memory_space<vmem>>, vector<128x64xf32>
    %get3A_11 = arith.constant 0 : index
    %get3A_12 = arith.constant 0 : index
    %get3A_13 = vector.load %arg5[%get3A_11, %get3A_12] : memref<128x64xf32, #tpu.memory_space<vmem>>, vector<128x64xf32>
    %get3A_14 = arith.constant 0 : index
    %get3A_15 = arith.constant 0 : index
    %get3A_16 = vector.load %arg6[%get3A_14, %get3A_15] : memref<64x32xf32, #tpu.memory_space<vmem>>, vector<64x32xf32>
    %get3A_17 = arith.constant 0 : index
    %get3A_18 = arith.constant 0 : index
    %get3A_19 = vector.load %arg7[%get3A_17, %get3A_18] : memref<64x32xf32, #tpu.memory_space<vmem>>, vector<64x32xf32>
    %dot_general3A = arith.constant dense<0.000000e+00> : vector<1280x64xf32>
    %dot_general3A_20 = tpu.matmul %get3A_4, %get3A_10, %dot_general3A {dimension_numbers = #tpu.dot_dimension_numbers<[1], [0], [0], [1], [0, 0, 1, 1], [], []>, transpose_lhs_hint = false} : vector<1280x128xf32>, vector<128x64xf32>, vector<1280x64xf32> -> vector<1280x64xf32>
    %dot_general3A_21 = arith.constant dense<0.000000e+00> : vector<1280x64xf32>
    %dot_general3A_22 = tpu.matmul %get3A_7, %get3A_13, %dot_general3A_21 {dimension_numbers = #tpu.dot_dimension_numbers<[1], [0], [0], [1], [0, 0, 1, 1], [], []>, transpose_lhs_hint = false} : vector<1280x128xf32>, vector<128x64xf32>, vector<1280x64xf32> -> vector<1280x64xf32>
    %add3A = arith.addf %dot_general3A_20, %dot_general3A_22 : vector<1280x64xf32>
    %max3A = arith.constant 0.000000e+00 : f32
    %max3A_23 = vector.broadcast %max3A : f32 to vector<1280x64xf32>
    %max3A_24 = arith.maximumf %add3A, %max3A_23 : vector<1280x64xf32>
    %reshape3A = vector.shape_cast %get3A_4 : vector<1280x128xf32> to vector<8x160x128xf32>
    %iota3A = tpu.iota {dimensions = array<i32: 2>} : vector<8x8x160xi32>
    %iota3A_25 = tpu.iota {dimensions = array<i32: 1>} : vector<8x8x160xi32>
    %jit3A = arith.constant 20 : i32
    %div3A = vector.broadcast %jit3A : i32 to vector<8x8x160xi32>
    %div3A_26 = arith.divsi %iota3A, %div3A : vector<8x8x160xi32>
    %sign3A = arith.constant 0 : i32
    %sign3A_27 = vector.broadcast %sign3A : i32 to vector<8x8x160xi32>
    %sign3A_28 = arith.cmpi sgt, %iota3A, %sign3A_27 : vector<8x8x160xi32>
    %sign3A_29 = arith.extui %sign3A_28 : vector<8x8x160xi1> to vector<8x8x160xi32>
    %sign3A_30 = arith.constant 0 : i32
    %sign3A_31 = vector.broadcast %sign3A_30 : i32 to vector<8x8x160xi32>
    %sign3A_32 = arith.cmpi slt, %iota3A, %sign3A_31 : vector<8x8x160xi32>
    %sign3A_33 = arith.extui %sign3A_32 : vector<8x8x160xi1> to vector<8x8x160xi32>
    %sign3A_34 = arith.subi %sign3A_29, %sign3A_33 : vector<8x8x160xi32>
    %sign3A_35 = arith.constant 0 : i32
    %sign3A_36 = arith.cmpi sgt, %jit3A, %sign3A_35 : i32
    %sign3A_37 = arith.extui %sign3A_36 : i1 to i32
    %sign3A_38 = arith.constant 0 : i32
    %sign3A_39 = arith.cmpi slt, %jit3A, %sign3A_38 : i32
    %sign3A_40 = arith.extui %sign3A_39 : i1 to i32
    %sign3A_41 = arith.subi %sign3A_37, %sign3A_40 : i32
    %ne3A = vector.broadcast %sign3A_41 : i32 to vector<8x8x160xi32>
    %ne3A_42 = arith.cmpi ne, %sign3A_34, %ne3A : vector<8x8x160xi32>
    %rem3A = vector.broadcast %jit3A : i32 to vector<8x8x160xi32>
    %rem3A_43 = arith.remsi %iota3A, %rem3A : vector<8x8x160xi32>
    %ne3A_44 = arith.constant 0 : i32
    %ne3A_45 = vector.broadcast %ne3A_44 : i32 to vector<8x8x160xi32>
    %ne3A_46 = arith.cmpi ne, %rem3A_43, %ne3A_45 : vector<8x8x160xi32>
    %and3A = arith.andi %ne3A_42, %ne3A_46 : vector<8x8x160xi1>
    %sub3A = arith.constant 1 : i32
    %sub3A_47 = vector.broadcast %sub3A : i32 to vector<8x8x160xi32>
    %sub3A_48 = arith.subi %div3A_26, %sub3A_47 : vector<8x8x160xi32>
    %select_n3A = arith.select %and3A, %sub3A_48, %div3A_26 : vector<8x8x160xi1>, vector<8x8x160xi32>
    %eq3A = arith.cmpi eq, %select_n3A, %iota3A_25 : vector<8x8x160xi32>
    %jit3A_49 = arith.constant 1.000000e+00 : f32
    %jit3A_50 = arith.constant 0.000000e+00 : f32
    %broadcast_in_dim3A = vector.broadcast %jit3A_49 : f32 to vector<8x8x160xf32>
    %broadcast_in_dim3A_51 = vector.broadcast %jit3A_50 : f32 to vector<8x8x160xf32>
    %select_n3A_52 = arith.select %eq3A, %broadcast_in_dim3A, %broadcast_in_dim3A_51 : vector<8x8x160xi1>, vector<8x8x160xf32>
    %dot_general3A_53 = arith.constant dense<0.000000e+00> : vector<8x8x128xf32>
    %dot_general3A_54 = tpu.matmul %select_n3A_52, %reshape3A, %dot_general3A_53 {dimension_numbers = #tpu.dot_dimension_numbers<[2], [1], [1], [2], [0, 0, 0, 1, 1, 2], [0], [0]>, transpose_lhs_hint = false} : vector<8x8x160xf32>, vector<8x160x128xf32>, vector<8x8x128xf32> -> vector<8x8x128xf32>
    %reshape3A_55 = vector.shape_cast %dot_general3A_54 : vector<8x8x128xf32> to vector<64x128xf32>
    %mul3A = arith.constant 5.000000e-02 : f32
    %mul3A_56 = vector.broadcast %mul3A : f32 to vector<64x128xf32>
    %mul3A_57 = arith.mulf %reshape3A_55, %mul3A_56 : vector<64x128xf32>
    %dot_general3A_58 = arith.constant dense<0.000000e+00> : vector<64x64xf32>
    %dot_general3A_59 = tpu.matmul %get3A_1, %get3A_10, %dot_general3A_58 {dimension_numbers = #tpu.dot_dimension_numbers<[1], [0], [0], [1], [0, 0, 1, 1], [], []>, transpose_lhs_hint = false} : vector<64x128xf32>, vector<128x64xf32>, vector<64x64xf32> -> vector<64x64xf32>
    %dot_general3A_60 = arith.constant dense<0.000000e+00> : vector<64x64xf32>
    %dot_general3A_61 = tpu.matmul %mul3A_57, %get3A_13, %dot_general3A_60 {dimension_numbers = #tpu.dot_dimension_numbers<[1], [0], [0], [1], [0, 0, 1, 1], [], []>, transpose_lhs_hint = false} : vector<64x128xf32>, vector<128x64xf32>, vector<64x64xf32> -> vector<64x64xf32>
    %add3A_62 = arith.addf %dot_general3A_59, %dot_general3A_61 : vector<64x64xf32>
    %max3A_63 = arith.constant 0.000000e+00 : f32
    %max3A_64 = vector.broadcast %max3A_63 : f32 to vector<64x64xf32>
    %max3A_65 = arith.maximumf %add3A_62, %max3A_64 : vector<64x64xf32>
    %reshape3A_66 = vector.shape_cast %max3A_24 : vector<1280x64xf32> to vector<8x160x64xf32>
    %iota3A_67 = tpu.iota {dimensions = array<i32: 2>} : vector<8x8x160xi32>
    %iota3A_68 = tpu.iota {dimensions = array<i32: 1>} : vector<8x8x160xi32>
    %jit3A_69 = arith.constant 20 : i32
    %div3A_70 = vector.broadcast %jit3A_69 : i32 to vector<8x8x160xi32>
    %div3A_71 = arith.divsi %iota3A_67, %div3A_70 : vector<8x8x160xi32>
    %sign3A_72 = arith.constant 0 : i32
    %sign3A_73 = vector.broadcast %sign3A_72 : i32 to vector<8x8x160xi32>
    %sign3A_74 = arith.cmpi sgt, %iota3A_67, %sign3A_73 : vector<8x8x160xi32>
    %sign3A_75 = arith.extui %sign3A_74 : vector<8x8x160xi1> to vector<8x8x160xi32>
    %sign3A_76 = arith.constant 0 : i32
    %sign3A_77 = vector.broadcast %sign3A_76 : i32 to vector<8x8x160xi32>
    %sign3A_78 = arith.cmpi slt, %iota3A_67, %sign3A_77 : vector<8x8x160xi32>
    %sign3A_79 = arith.extui %sign3A_78 : vector<8x8x160xi1> to vector<8x8x160xi32>
    %sign3A_80 = arith.subi %sign3A_75, %sign3A_79 : vector<8x8x160xi32>
    %sign3A_81 = arith.constant 0 : i32
    %sign3A_82 = arith.cmpi sgt, %jit3A_69, %sign3A_81 : i32
    %sign3A_83 = arith.extui %sign3A_82 : i1 to i32
    %sign3A_84 = arith.constant 0 : i32
    %sign3A_85 = arith.cmpi slt, %jit3A_69, %sign3A_84 : i32
    %sign3A_86 = arith.extui %sign3A_85 : i1 to i32
    %sign3A_87 = arith.subi %sign3A_83, %sign3A_86 : i32
    %ne3A_88 = vector.broadcast %sign3A_87 : i32 to vector<8x8x160xi32>
    %ne3A_89 = arith.cmpi ne, %sign3A_80, %ne3A_88 : vector<8x8x160xi32>
    %rem3A_90 = vector.broadcast %jit3A_69 : i32 to vector<8x8x160xi32>
    %rem3A_91 = arith.remsi %iota3A_67, %rem3A_90 : vector<8x8x160xi32>
    %ne3A_92 = arith.constant 0 : i32
    %ne3A_93 = vector.broadcast %ne3A_92 : i32 to vector<8x8x160xi32>
    %ne3A_94 = arith.cmpi ne, %rem3A_91, %ne3A_93 : vector<8x8x160xi32>
    %and3A_95 = arith.andi %ne3A_89, %ne3A_94 : vector<8x8x160xi1>
    %sub3A_96 = arith.constant 1 : i32
    %sub3A_97 = vector.broadcast %sub3A_96 : i32 to vector<8x8x160xi32>
    %sub3A_98 = arith.subi %div3A_71, %sub3A_97 : vector<8x8x160xi32>
    %select_n3A_99 = arith.select %and3A_95, %sub3A_98, %div3A_71 : vector<8x8x160xi1>, vector<8x8x160xi32>
    %eq3A_100 = arith.cmpi eq, %select_n3A_99, %iota3A_68 : vector<8x8x160xi32>
    %jit3A_101 = arith.constant 1.000000e+00 : f32
    %jit3A_102 = arith.constant 0.000000e+00 : f32
    %broadcast_in_dim3A_103 = vector.broadcast %jit3A_101 : f32 to vector<8x8x160xf32>
    %broadcast_in_dim3A_104 = vector.broadcast %jit3A_102 : f32 to vector<8x8x160xf32>
    %select_n3A_105 = arith.select %eq3A_100, %broadcast_in_dim3A_103, %broadcast_in_dim3A_104 : vector<8x8x160xi1>, vector<8x8x160xf32>
    %dot_general3A_106 = arith.constant dense<0.000000e+00> : vector<8x8x64xf32>
    %dot_general3A_107 = tpu.matmul %select_n3A_105, %reshape3A_66, %dot_general3A_106 {dimension_numbers = #tpu.dot_dimension_numbers<[2], [1], [1], [2], [0, 0, 0, 1, 1, 2], [0], [0]>, transpose_lhs_hint = false} : vector<8x8x160xf32>, vector<8x160x64xf32>, vector<8x8x64xf32> -> vector<8x8x64xf32>
    %reshape3A_108 = vector.shape_cast %dot_general3A_107 : vector<8x8x64xf32> to vector<64x64xf32>
    %mul3A_109 = arith.constant 5.000000e-02 : f32
    %mul3A_110 = vector.broadcast %mul3A_109 : f32 to vector<64x64xf32>
    %mul3A_111 = arith.mulf %reshape3A_108, %mul3A_110 : vector<64x64xf32>
    %dot_general3A_112 = arith.constant dense<0.000000e+00> : vector<64x32xf32>
    %dot_general3A_113 = tpu.matmul %max3A_65, %get3A_16, %dot_general3A_112 {dimension_numbers = #tpu.dot_dimension_numbers<[1], [0], [0], [1], [0, 0, 1, 1], [], []>, transpose_lhs_hint = false} : vector<64x64xf32>, vector<64x32xf32>, vector<64x32xf32> -> vector<64x32xf32>
    %dot_general3A_114 = arith.constant dense<0.000000e+00> : vector<64x32xf32>
    %dot_general3A_115 = tpu.matmul %mul3A_111, %get3A_19, %dot_general3A_114 {dimension_numbers = #tpu.dot_dimension_numbers<[1], [0], [0], [1], [0, 0, 1, 1], [], []>, transpose_lhs_hint = false} : vector<64x64xf32>, vector<64x32xf32>, vector<64x32xf32> -> vector<64x32xf32>
    %add3A_116 = arith.addf %dot_general3A_113, %dot_general3A_115 : vector<64x32xf32>
    %max3A_117 = arith.constant 0.000000e+00 : f32
    %max3A_118 = vector.broadcast %max3A_117 : f32 to vector<64x32xf32>
    %max3A_119 = arith.maximumf %add3A_116, %max3A_118 : vector<64x32xf32>
    %swap3A = arith.constant 0 : index
    %swap3A_120 = arith.constant 0 : index
    %swap3A_121 = vector.load %arg8[%swap3A, %swap3A_120] : memref<64x32xf32, #tpu.memory_space<vmem>>, vector<64x32xf32>
    tpu.vector_store %arg8[%swap3A, %swap3A_120], %max3A_119 {strides = array<i32>} : memref<64x32xf32, #tpu.memory_space<vmem>>, vector<64x32xf32>,
    return
  }
  func.func @transform_0(%arg0: i32) -> (i32, i32) {
    %c0_i32 = arith.constant 0 : i32
    %c0_i32_0 = arith.constant 0 : i32
    return %arg0, %c0_i32 : i32, i32
  }
  func.func @transform_1(%arg0: i32) -> (i32, i32) {
    %c0_i32 = arith.constant 0 : i32
    %c0_i32_0 = arith.constant 0 : i32
    return %arg0, %c0_i32 : i32, i32
  }
  func.func @transform_2(%arg0: i32) -> (i32, i32) {
    %c0_i32 = arith.constant 0 : i32
    %c0_i32_0 = arith.constant 0 : i32
    return %arg0, %c0_i32 : i32, i32
  }
  func.func @transform_3(%arg0: i32) -> (i32, i32) {
    %c0_i32 = arith.constant 0 : i32
    %c0_i32_0 = arith.constant 0 : i32
    %c0_i32_1 = arith.constant 0 : i32
    return %c0_i32, %c0_i32_0 : i32, i32
  }
  func.func @transform_4(%arg0: i32) -> (i32, i32) {
    %c0_i32 = arith.constant 0 : i32
    %c0_i32_0 = arith.constant 0 : i32
    %c0_i32_1 = arith.constant 0 : i32
    return %c0_i32, %c0_i32_0 : i32, i32
  }
  func.func @transform_5(%arg0: i32) -> (i32, i32) {
    %c0_i32 = arith.constant 0 : i32
    %c0_i32_0 = arith.constant 0 : i32
    %c0_i32_1 = arith.constant 0 : i32
    return %c0_i32, %c0_i32_0 : i32, i32
  }
  func.func @transform_6(%arg0: i32) -> (i32, i32) {
    %c0_i32 = arith.constant 0 : i32
    %c0_i32_0 = arith.constant 0 : i32
    %c0_i32_1 = arith.constant 0 : i32
    return %c0_i32, %c0_i32_0 : i32, i32
  }
  func.func @transform_7(%arg0: i32) -> (i32, i32) {
    %c0_i32 = arith.constant 0 : i32
    %c0_i32_0 = arith.constant 0 : i32
    return %arg0, %c0_i32 : i32, i32
  }
}

</mosaic_0001>

<sc_bundles>
// kernel: kernel.6.cloned.1.call-start
scs
__scs_entry_jumppad:
0x0: {  	(pc) =	sbr.rel $0x88, $3  }
0x1: {  	(tag) =	ssettag $0x0;
	lr =	simm.s32 $0x1  }
0x2: {  	[smem:$0x3F94] =	sst lr;
	_ =	strace $0xD0000000  }
0x3: {  	_ = 	snop  }
0x4: {  	_ = 	snop  }
0x5: {  	_ = 	snop  }
0x6: {  	_ = 	snop  }
0x7: {  	_ = 	snop  }
__scs_overlays_trampoline_lowered:
0x8: {  	[smem:$0x3FA3] =	sst s0  }
0x9: {  	[smem:$0x3FA4] =	sst s1  }
0xa: {  	[smem:$0x3FA5] =	sst s2  }
0xb: {  	[smem:$0x3FA6] =	sst s3  }
0xc: {  	[smem:$0x3FA7] =	sst s4  }
0xd: {  	[smem:$0x3FA8] =	sst s5  }
0xe: {  	[smem:$0x3FA9] =	sst s6  }
0xf: {  	[smem:$0x3FAA] =	sst s7  }
0x10: {  	[smem:$0x3FAB] =	sst s8  }
0x11: {  	[smem:$0x3FAC] =	sst s9;
	s0 =	simm.s32 @!p0 $0x0  }
0x12: {  	s1 =	sld [smem:$0x3F92];
	s0 =	simm.s32 @p0 $0x1  }
0x13: {  	[smem:$0x3FAD] =	sst s0;
	s0 =	simm.s32 @!p1 $0x0  }
0x14: {  	s2 =	sld [smem:$0x3F91];
	s0 =	simm.s32 @p1 $0x1  }
0x15: {  	[smem:$0x3FAE] =	sst s0;
	s0 =	simm.s32 @!p2 $0x0  }
0x16: {  	s3 =	sld [smem:$0x3FDB];
	s0 =	simm.s32 @p2 $0x1  }
0x17: {  	s4 =	simm.s32 $0x1BF5;
	[smem:$0x3FB0] =	sst s0  }
0x18: {  	s0 =	sld [smem:$0x3F93];
	_ =	swait.ge [sflag:s4], $0x0  }
0x19: {  	s7 =	sld [smem:$0x3F94]  }
0x1a: {  	s8 =	sadd.s32 $0xFFFFE003, lr  }
0x1b: {  	s9 =	sadd.s32 $0xFFFFFEF7, lr;
	s5 =	simm.s32 $0xFFFFFFFF;
	p2 =	slt.u32 s8, $0xFFFFF086  }
0x1c: {  	p1 =	slt.u32 s9, $0xF7A;
	s5 =	simm.s32 @!p2 $0x0  }
0x1d: {  	s5 =	simm.s32 @p1 $0x1;
	p0 =	seq.s32 s7, s2  }
0x1e: {  	s7 =	smul.u32 @!p0 $0xF7A, s2;
	p2 =	seq.s32 @!p0 s5, $0x0  }
0x1f: {  	s9 =	smul.u32 $0xF7A, s1;
	s8 =	simm.s32 @!p0 $0x1BF5;
	p2 =	por !p2, p0  }
0x20: {  	[sflag:s8] =	ssyncset.s32 @!p0 $0xFFFFF086;
	s6 =	sadd.s32 @!p0 s3, s7;
	s7 =	simm.s32 @!p0 $0x108  }
0x21: {  	s3 =	sadd.s32 s3, s9;
	s6 =	sadd.s32 @!p0 $0x88, s6;
	s7 =	simm.s32 @p2 $0x1082  }
0x22: {  	[simem:s7], [sflag:s8] =	dma.local @!p0 [hbm:s6], $0xF7A  }
0x23: {  	s9 =	sor.u32 $0xD0000000, s2;
	s6 =	simm.s32 $0x108;
	_ =	swait.ge @!p0 [sflag:s8], $0x0  }
0x24: {  	s3 =	sadd.s32 $0x88, s3;
	s6 =	simm.s32 @!p1 $0x1082;
	[sflag:s4] =	ssyncset.s32 $0xFFFFF086  }
0x25: {  	[simem:s6], [sflag:s4] =	dma.local [hbm:s3], $0xF7A  }
0x26: {  	[smem:$0x3F94] =	sst s1;
	(tag) =	ssettag s2;
	_ =	strace s9  }
0x27: {  	s1 =	sld [smem:$0x3FA4]  }
0x28: {  	s2 =	sld [smem:$0x3FA5]  }
0x29: {  	s4 =	sld [smem:$0x3FA7]  }
0x2a: {  	p0 =	seq.s32 s5, $0x0;
	s5 =	sld [smem:$0x3FA8]  }
0x2b: {  	s6 =	sld [smem:$0x3FA9]  }
0x2c: {  	s7 =	sld [smem:$0x3FAA]  }
0x2d: {  	s3 =	simm.s32 $0x108;
	s8 =	sld [smem:$0x3FAB]  }
0x2e: {  	s3 =	simm.s32 @!p0 $0x1082;
	s9 =	sld [smem:$0x3FAC]  }
0x2f: {  	lr =	sadd.s32 s0, s3;
	s0 =	sld [smem:$0x3FA3]  }
0x30: {  	s3 =	sld [smem:$0x3FA6]  }
0x31: {  	[smem:$0x3FAF] =	sst s10  }
0x32: {  	s10 =	sld [smem:$0x3FAD];
	_ =	sdelay $0x3  }
0x33: {  	p0 =	seq.s32 s10, $0x1;
	s10 =	sld [smem:$0x3FAF];
	_ =	sdelay $0x3  }
0x34: {  	[smem:$0x3FAF] =	sst s10  }
0x35: {  	s10 =	sld [smem:$0x3FAE];
	_ =	sdelay $0x3  }
0x36: {  	p1 =	seq.s32 s10, $0x1;
	s10 =	sld [smem:$0x3FAF];
	_ =	sdelay $0x3  }
0x37: {  	[smem:$0x3FAF] =	sst s10  }
0x38: {  	s10 =	sld [smem:$0x3FB0]  }
0x39: {  	_ = 	snop;
	(pc) =	sbr.ind lr, $3  }
0x3a: {  	_ = 	snop  }
0x3b: {  	_ = 	snop  }
0x3c: {  	p2 =	seq.s32 s10, $0x1;
	s10 =	sld [smem:$0x3FAF]  }
0x3d: {  	_ =	shalt  }
0x3e: {  	_ =	shalt  }
0x3f: {  	_ =	shalt  }
0x40: {  	_ =	shalt  }
0x41: {  	_ =	shalt  }
0x42: {  	_ =	shalt  }
0x43: {  	_ =	shalt  }
0x44: {  	_ =	shalt  }
0x45: {  	_ =	shalt  }
0x46: {  	_ =	shalt  }
0x47: {  	_ =	shalt  }
0x48: {  	_ =	shalt  }
0x49: {  	_ =	shalt  }
0x4a: {  	_ =	shalt  }
0x4b: {  	_ =	shalt  }
0x4c: {  	_ =	shalt  }
0x4d: {  	_ =	shalt  }
0x4e: {  	_ =	shalt  }
0x4f: {  	_ =	shalt  }
0x50: {  	_ =	shalt  }
0x51: {  	_ =	shalt  }
0x52: {  	_ =	shalt  }
0x53: {  	_ =	shalt  }
0x54: {  	_ =	shalt  }
0x55: {  	_ =	shalt  }
0x56: {  	_ =	shalt  }
0x57: {  	_ =	shalt  }
0x58: {  	_ =	shalt  }
0x59: {  	_ =	shalt  }
0x5a: {  	_ =	shalt  }
0x5b: {  	_ =	shalt  }
0x5c: {  	_ =	shalt  }
0x5d: {  	_ =	shalt  }
0x5e: {  	_ =	shalt  }
0x5f: {  	_ =	shalt  }
0x60: {  	_ =	shalt  }
0x61: {  	_ =	shalt  }
0x62: {  	_ =	shalt  }
0x63: {  	_ =	shalt  }
0x64: {  	_ =	shalt  }
0x65: {  	_ =	shalt  }
0x66: {  	_ =	shalt  }
0x67: {  	_ =	shalt  }
0x68: {  	_ =	shalt  }
0x69: {  	_ =	shalt  }
0x6a: {  	_ =	shalt  }
0x6b: {  	_ =	shalt  }
0x6c: {  	_ =	shalt  }
0x6d: {  	_ =	shalt  }
0x6e: {  	_ =	shalt  }
0x6f: {  	_ =	shalt  }
0x70: {  	_ =	shalt  }
0x71: {  	_ =	shalt  }
0x72: {  	_ =	shalt  }
0x73: {  	_ =	shalt  }
0x74: {  	_ =	shalt  }
0x75: {  	_ =	shalt  }
0x76: {  	_ =	shalt  }
0x77: {  	_ =	shalt  }
0x78: {  	_ =	shalt  }
0x79: {  	_ =	shalt  }
0x7a: {  	_ =	shalt  }
0x7b: {  	_ =	shalt  }
0x7c: {  	_ =	shalt  }
0x7d: {  	_ =	shalt  }
0x7e: {  	_ =	shalt  }
0x7f: {  	_ =	shalt  }
0x80: {  	_ =	shalt  }
0x81: {  	_ =	shalt  }
0x82: {  	_ =	shalt  }
0x83: {  	_ =	shalt  }
0x84: {  	_ =	shalt  }
0x85: {  	_ =	shalt  }
0x86: {  	_ =	shalt  }
0x87: {  	_ =	shalt  }
.Lfunc_end0:
.L_simem_size_0:
called_computation_lowered:
.L_overlay_start_0:
0x88: {  	s2 =	sld [smem:$0x3FD9]  }
0x89: {  	s3 =	sld [smem:$0x3FFE];
	_ =	sdelay $0x1  }
0x8a: {  	s1 =	srdreg.scid  }
0x8b: {  	s0 =	sand.u32 $0x1, s1  }
0x8c: {  	s17 =	sshll.u32 s0, $0xA;
	s2 =	sadd.s32 s3, s2  }
0x8d: {  	s2 =	sadd.s32 s2, s17  }
0x8e: {  	[smem:$0x3FBB] =	sst s2  }
0x8f: {  	_ = 	snop  }
0x90: {  	s2 =	sld [smem:$0x3FC1];
	(tm) =	ssettm $0x1  }
0x91: {  	s18 =	sld [smem:$0x3FFB];
	_ =	sdelay $0x3  }
0x92: {  	_ =	strace s18  }
0x93: {  	s3 =	sld [smem:$0x3FFC];
	_ =	sdelay $0x3  }
0x94: {  	_ =	strace s3  }
0x95: {  	s3 =	sld [smem:$0x3FFD];
	_ =	sdelay $0x3  }
0x96: {  	_ =	strace s3  }
0x97: {  	_ =	strace $0x8FFFFFFF  }
0x98: {  	s19 =	sld [smem:$0x3FDB];
	_ =	sdelay $0x1  }
0x99: {  	s4 =	simm.s32 $_scs_section_size  }
0x9a: {  	s5 =	simm.s32 $_size__tile_overlayer_lowered;
	s6 =	simm.s32 $_tile_overlayer_lowered  }
0x9b: {  	s22 =	simm.s32 $0x1BFF;
	s21 =	sshll.u32 s6, $0x1;
	s3 =	sadd.s32 s4, s19  }
0x9c: {  	s7 =	simm.s32 $0x0;
	s20 =	sshll.u32 s5, $0x1;
	s5 =	sadd.s32 s21, s3  }
0x9d: {  	[timem:s7], [sflag:s22] =	dma.local [hbm:s5], s20  }
0x9e: {  	_ =	swait.ge [sflag:s22], s20  }
0x9f: {  	s4 =	ssub.s32 $0x0, s20;
	[sflag:s22] =	ssyncset.done $0x0  }
0xa0: {  	[sflag:s22] =	ssyncadd.s32 s4;
	_ =	sdelay $0x1  }
0xa1: {  	s23 =	simm.s32 $0x1B8B  }
0xa2: {  	_ =	swait.ge [sflag:s23], $0x1  }
0xa3: {  	[sflag:s23] =	ssyncset.done $0x0  }
0xa4: {  	s25 =	simm.s32 $0x1B8E;
	s24 =	sld [smem:$0x3FFE];
	[sflag:s23] =	ssyncadd.s32 $0xFFFFFFFF  }
0xa5: {  	s26 =	simm.s32 $execute0_lowered;
	[smem:$0x3FD2] =	sst s25  }
0xa6: {  	s5 =	sshll.u32 s26, $0x1;
	_ =	strace $0x80000046;
	[dreg:$0x1] =	wrdreg $0xFFFFFFFF  }
0xa7: {  	s28 =	simm.s32 $_size_execute0_lowered;
	s3 =	sadd.s32 s3, s5;
	[dreg:$0x0] =	wrdreg $0x0  }
0xa8: {  	s5 =	sshll.u32 s28, $0x1;
	[dreg:$0x2] =	wrdreg s3  }
0xa9: {  	[dreg:$0x3] =	wrdreg s5  }
0xaa: {  	[dreg:$0x4] =	wrdreg $0xC0  }
0xab: {  	_ =	task [dreg:s7], $0x5FFFF  }
0xac: {  	[dreg:$0x1] =	wrdreg $0xFFFFFFFF  }
0xad: {  	[dreg:$0x0] =	wrdreg $0x60  }
0xae: {  	[dreg:$0x2] =	wrdreg s2  }
0xaf: {  	[dreg:$0x3] =	wrdreg s24  }
0xb0: {  	[dreg:$0x4] =	wrdreg $0x9  }
0xb1: {  	_ =	task.clear_ibuf [dreg:s7], $0x5FFFF;
	_ =	strace $0x90000046  }
0xb2: {  	s29 =	simm.s32 $0x9;
	_ =	strace $0x80000048  }
0xb3: {  	_ =	swait.ge [sflag:s29], $0x1  }
0xb4: {  	[sflag:s29] =	ssyncadd.s32 $0xFFFFFFFF  }
0xb5: {  	_ =	strace $0x90000048  }
0xb6: {  	_ =	sfence  }
0xb7: {  	s30 =	sld [smem:$0x0];
	_ =	sdelay $0x2  }
0xb8: {  	s31 =	sshll.u32 s1, $0xD;
	s1 =	sshrl.u32 s1, $0x2  }
0xb9: {  	s3 =	sand.u32 $0x4000, s31;
	s1 =	sadd.s32 s1, s30  }
0xba: {  	s0 =	sor.u32 s3, s0;
	s1 =	sshll.u32 s1, $0x11  }
0xbb: {  	s0 =	sor.u32 s1, s0  }
0xbc: {  	s0 =	sadd.s32 $0x8F2B, s0  }
0xbd: {  	[sflag:s0] =	ssyncadd.remote.s32 $0x1  }
0xbe: {  	_ =	sfence.sel $0xFFFF  }
0xbf: {  	[dreg:$0x0] =	wrdreg $0xFFFFFFFF;
	(pc) =	sbr.abs _section_cstart, $3  }
0xc0: {  	[dreg:$0x1] =	wrdreg $0xFFFFFFFF  }
0xc1: {  	_ =	task.clear_ibuf [dreg:s7], $0x2FFFF;
	_ =	strace $0x9FFFFFFF  }
0xc2: {  	(tm) =	ssettm $0x7FFFFFFF  }
0xc3: {  	_ =	shalt  }
tec
execute0_lowered:
.L_overlay_start_1:
0x0: {  	(tag) =	ssettag $0x1  }
0x1: {  	s1 =	srdreg.scid;
	s2 =	rddreg [dreg:$0x0]  }
0x2: {  	s0 =	stileid.u32;
	s5 =	rddreg [dreg:$0x1]  }
0x3: {  	s3 =	simm.s32 $0x0;
	s4 =	sand.u32 $0x1, s1;
	s31 =	sshll.u32 s0, $0x1  }
0x4: {  	s11 =	simm.s32 $0x2;
	s12 =	simm.s32 $0xC800;
	s6 =	sor.u32 s4, s31  }
0x5: {  	s13 =	simm.s32 $0x3;
	s14 =	simm.s32 $0x0;
	s7 =	smul.u32 $0x1400, s6  }
0x6: {  	s1 =	rddreg [dreg:$0x2];
	s8 =	ssub.s32 $0x2, s4;
	s9 =	smul.u32 $0xC800, s6  }
0x7: {  	[smem:$0x7FF] =	sst s3;
	s10 =	sshrl.u32 s8, $0x1;
	s4 =	smul.u32 $0xC80, s6  }
0x8: {  	_ =	strace $0x80000047;
	s8 =	ssub.s32 s8, s10;
	s10 =	simm.s32 $0x1  }
0x9: {  	s7 =	sadd.s32 s7, s5;
	s5 =	sadd.s32 s2, s9;
	s6 =	sadd.s32 $0x190, s4  }
0xa: {  	s8 =	smax.u32 s8, $0x1;
	s9 =	simm.s32 $0x6400;
	s7 =	sadd.s32 $0x2000, s7  }
.LBB2_1:
0xb: {  	[tilespmem:s3], [sflag:$0x1] =	stream.linear.gather [hbm4b:s5+s3], $0x6400, $0x38;
	[tilespmem:$0x16800] =	vst v63  }
0xc: {  	s15 =	simm.s32 $0xC840;
	s16 =	simm.s32 $0xD270;
	s17 =	simm.s32 $0x0  }
.LBB2_2:
0xd: {  	s18 =	sshllo.u32 s17, $0x1  }
0xe: {  	s18 =	smul.u32 $0xC8, s18;
	_ =	sdelay $0x1  }
0xf: {  	s18 =	sadd.s32 s4, s18  }
0x10: {  	s18 =	sshll.u32 s18, $0x4  }
0x11: {  	s19 =	simm.s32 $0x0;
	s18 =	sadd.s32 s2, s18  }
0x12: {  	[tilespmem:s9], [sflag:$0x2] =	stream.linear.gather [hbm4b:s18+s19], $0x6400, $0x38;
	[tilespmem:$0x16800] =	vst v63  }
0x13: {  	_ =	swait.ge [sflag:s10], $0x6400  }
0x14: {  	[sflag:s10] =	ssyncset.done $0x0  }
0x15: {  	s18 =	simm.s32 $0x280;
	[sflag:s10] =	ssyncadd.s32 $0xFFFF9C00  }
0x16: {  	v0 =	vld [tilespmem:s18+$0xFFFFFE00]  }
0x17: {  	v1 =	vld [tilespmem:s18+$0xFFFFFD80];
	_ =	sdelay $0x1  }
0x18: {  	v2 =	vld [tilespmem:s18+$0xFFFFFE80];
	_ =	sdelay $0x1  }
0x19: {  	v3 =	vld [tilespmem:s18+$0xFFFFFF00]  }
0x1a: {  	v0 =	vadd.f32 v0, v1  }
0x1b: {  	v1 =	vld [tilespmem:s18+$0xFFFFFF80]  }
0x1c: {  	v0 =	vadd.f32 v2, v0  }
0x1d: {  	v2 =	vld [tilespmem:s18+$0x0]  }
0x1e: {  	v0 =	vadd.f32 v3, v0  }
0x1f: {  	v3 =	vld [tilespmem:s18+$0x80]  }
0x20: {  	v0 =	vadd.f32 v1, v0  }
0x21: {  	v1 =	vld [tilespmem:s18+$0x100]  }
0x22: {  	v0 =	vadd.f32 v2, v0  }
0x23: {  	v2 =	vld [tilespmem:s18+$0x180]  }
0x24: {  	v0 =	vadd.f32 v3, v0  }
0x25: {  	v3 =	vld [tilespmem:s18+$0x200]  }
0x26: {  	v0 =	vadd.f32 v1, v0;
	_ =	sdelay $0x1  }
0x27: {  	v1 =	vadd.f32 v2, v0  }
0x28: {  	v0 =	vmov s15  }
0x29: {  	v1 =	vadd.f32 v3, v1;
	_ =	sdelay $0x1  }
0x2a: {  	v1 =	vmul.f32 $1.000000010e-01, v1  }
0x2b: {  	s19 =	simm.s32 $0x0  }
0x2c: {  	[tilespmem:v0+s19+$0xFFFFFFC0 ss:$0x1] =	vst.idx.msk $0xffff, v1  }
0x2d: {  	v1 =	vld [tilespmem:s18+$0xFFFFFD90]  }
0x2e: {  	v2 =	vld [tilespmem:s18+$0xFFFFFE10];
	_ =	sdelay $0x1  }
0x2f: {  	v3 =	vld [tilespmem:s18+$0xFFFFFE90];
	_ =	sdelay $0x1  }
0x30: {  	v4 =	vld [tilespmem:s18+$0xFFFFFF10]  }
0x31: {  	v1 =	vadd.f32 v2, v1  }
0x32: {  	v2 =	vld [tilespmem:s18+$0xFFFFFF90]  }
0x33: {  	v1 =	vadd.f32 v3, v1  }
0x34: {  	v3 =	vld [tilespmem:s18+$0x10]  }
0x35: {  	v1 =	vadd.f32 v4, v1  }
0x36: {  	v4 =	vld [tilespmem:s18+$0x90]  }
0x37: {  	v1 =	vadd.f32 v2, v1  }
0x38: {  	v2 =	vld [tilespmem:s18+$0x110]  }
0x39: {  	v1 =	vadd.f32 v3, v1  }
0x3a: {  	v3 =	vld [tilespmem:s18+$0x190]  }
0x3b: {  	v1 =	vadd.f32 v4, v1  }
0x3c: {  	v4 =	vld [tilespmem:s18+$0x210]  }
0x3d: {  	v1 =	vadd.f32 v2, v1;
	_ =	sdelay $0x1  }
0x3e: {  	v1 =	vadd.f32 v3, v1;
	_ =	sdelay $0x1  }
0x3f: {  	v1 =	vadd.f32 v4, v1;
	_ =	sdelay $0x1  }
0x40: {  	v1 =	vmul.f32 $1.000000010e-01, v1;
	_ =	sdelay $0x1  }
0x41: {  	[tilespmem:v0+s19+$0xFFFFFFD0 ss:$0x1] =	vst.idx.msk $0xffff, v1  }
0x42: {  	v1 =	vld [tilespmem:s18+$0xFFFFFDA0]  }
0x43: {  	v2 =	vld [tilespmem:s18+$0xFFFFFE20];
	_ =	sdelay $0x1  }
0x44: {  	v3 =	vld [tilespmem:s18+$0xFFFFFEA0];
	_ =	sdelay $0x1  }
0x45: {  	v4 =	vld [tilespmem:s18+$0xFFFFFF20]  }
0x46: {  	v1 =	vadd.f32 v2, v1  }
0x47: {  	v2 =	vld [tilespmem:s18+$0xFFFFFFA0]  }
0x48: {  	v1 =	vadd.f32 v3, v1  }
0x49: {  	v3 =	vld [tilespmem:s18+$0x20]  }
0x4a: {  	v1 =	vadd.f32 v4, v1  }
0x4b: {  	v4 =	vld [tilespmem:s18+$0xA0]  }
0x4c: {  	v1 =	vadd.f32 v2, v1  }
0x4d: {  	v2 =	vld [tilespmem:s18+$0x120]  }
0x4e: {  	v1 =	vadd.f32 v3, v1  }
0x4f: {  	v3 =	vld [tilespmem:s18+$0x1A0]  }
0x50: {  	v1 =	vadd.f32 v4, v1  }
0x51: {  	v4 =	vld [tilespmem:s18+$0x220]  }
0x52: {  	v1 =	vadd.f32 v2, v1;
	_ =	sdelay $0x1  }
0x53: {  	v1 =	vadd.f32 v3, v1;
	_ =	sdelay $0x1  }
0x54: {  	v1 =	vadd.f32 v4, v1;
	_ =	sdelay $0x1  }
0x55: {  	v1 =	vmul.f32 $1.000000010e-01, v1;
	_ =	sdelay $0x1  }
0x56: {  	[tilespmem:v0+s19+$0xFFFFFFE0 ss:$0x1] =	vst.idx.msk $0xffff, v1  }
0x57: {  	v1 =	vld [tilespmem:s18+$0xFFFFFDB0]  }
0x58: {  	v2 =	vld [tilespmem:s18+$0xFFFFFE30];
	_ =	sdelay $0x1  }
0x59: {  	v3 =	vld [tilespmem:s18+$0xFFFFFEB0];
	_ =	sdelay $0x1  }
0x5a: {  	v4 =	vld [tilespmem:s18+$0xFFFFFF30]  }
0x5b: {  	v1 =	vadd.f32 v2, v1  }
0x5c: {  	v2 =	vld [tilespmem:s18+$0xFFFFFFB0]  }
0x5d: {  	v1 =	vadd.f32 v3, v1  }
0x5e: {  	v3 =	vld [tilespmem:s18+$0x30]  }
0x5f: {  	v1 =	vadd.f32 v4, v1  }
0x60: {  	v4 =	vld [tilespmem:s18+$0xB0]  }
0x61: {  	v1 =	vadd.f32 v2, v1  }
0x62: {  	v2 =	vld [tilespmem:s18+$0x130]  }
0x63: {  	v1 =	vadd.f32 v3, v1  }
0x64: {  	v3 =	vld [tilespmem:s18+$0x1B0]  }
0x65: {  	v1 =	vadd.f32 v4, v1  }
0x66: {  	v4 =	vld [tilespmem:s18+$0x230]  }
0x67: {  	v1 =	vadd.f32 v2, v1;
	_ =	sdelay $0x1  }
0x68: {  	v1 =	vadd.f32 v3, v1;
	_ =	sdelay $0x1  }
0x69: {  	v1 =	vadd.f32 v4, v1;
	_ =	sdelay $0x1  }
0x6a: {  	v1 =	vmul.f32 $1.000000010e-01, v1;
	_ =	sdelay $0x1  }
0x6b: {  	[tilespmem:v0+s19+$0xFFFFFFF0 ss:$0x1] =	vst.idx.msk $0xffff, v1  }
0x6c: {  	v1 =	vld [tilespmem:s18+$0xFFFFFDC0]  }
0x6d: {  	v2 =	vld [tilespmem:s18+$0xFFFFFE40];
	_ =	sdelay $0x1  }
0x6e: {  	v3 =	vld [tilespmem:s18+$0xFFFFFEC0];
	_ =	sdelay $0x1  }
0x6f: {  	v4 =	vld [tilespmem:s18+$0xFFFFFF40]  }
0x70: {  	v1 =	vadd.f32 v2, v1  }
0x71: {  	v2 =	vld [tilespmem:s18+$0xFFFFFFC0]  }
0x72: {  	v1 =	vadd.f32 v3, v1  }
0x73: {  	v3 =	vld [tilespmem:s18+$0x40]  }
0x74: {  	v1 =	vadd.f32 v4, v1  }
0x75: {  	v4 =	vld [tilespmem:s18+$0xC0]  }
0x76: {  	v1 =	vadd.f32 v2, v1  }
0x77: {  	v2 =	vld [tilespmem:s18+$0x140]  }
0x78: {  	v1 =	vadd.f32 v3, v1  }
0x79: {  	v3 =	vld [tilespmem:s18+$0x1C0]  }
0x7a: {  	v1 =	vadd.f32 v4, v1  }
0x7b: {  	v4 =	vld [tilespmem:s18+$0x240]  }
0x7c: {  	v1 =	vadd.f32 v2, v1;
	_ =	sdelay $0x1  }
0x7d: {  	v1 =	vadd.f32 v3, v1;
	_ =	sdelay $0x1  }
0x7e: {  	v1 =	vadd.f32 v4, v1;
	_ =	sdelay $0x1  }
0x7f: {  	v1 =	vmul.f32 $1.000000010e-01, v1;
	_ =	sdelay $0x1  }
0x80: {  	[tilespmem:v0+s19+$0x0 ss:$0x1] =	vst.idx.msk $0xffff, v1  }
0x81: {  	v1 =	vld [tilespmem:s18+$0xFFFFFDD0]  }
0x82: {  	v2 =	vld [tilespmem:s18+$0xFFFFFE50];
	_ =	sdelay $0x1  }
0x83: {  	v3 =	vld [tilespmem:s18+$0xFFFFFED0];
	_ =	sdelay $0x1  }
0x84: {  	v4 =	vld [tilespmem:s18+$0xFFFFFF50]  }
0x85: {  	v1 =	vadd.f32 v2, v1  }
0x86: {  	v2 =	vld [tilespmem:s18+$0xFFFFFFD0]  }
0x87: {  	v1 =	vadd.f32 v3, v1  }
0x88: {  	v3 =	vld [tilespmem:s18+$0x50]  }
0x89: {  	v1 =	vadd.f32 v4, v1  }
0x8a: {  	v4 =	vld [tilespmem:s18+$0xD0]  }
0x8b: {  	v1 =	vadd.f32 v2, v1  }
0x8c: {  	v2 =	vld [tilespmem:s18+$0x150]  }
0x8d: {  	v1 =	vadd.f32 v3, v1  }
0x8e: {  	v3 =	vld [tilespmem:s18+$0x1D0]  }
0x8f: {  	v1 =	vadd.f32 v4, v1  }
0x90: {  	v4 =	vld [tilespmem:s18+$0x250]  }
0x91: {  	v1 =	vadd.f32 v2, v1;
	_ =	sdelay $0x1  }
0x92: {  	v1 =	vadd.f32 v3, v1;
	_ =	sdelay $0x1  }
0x93: {  	v1 =	vadd.f32 v4, v1;
	_ =	sdelay $0x1  }
0x94: {  	v1 =	vmul.f32 $1.000000010e-01, v1;
	_ =	sdelay $0x1  }
0x95: {  	[tilespmem:v0+s19+$0x10 ss:$0x1] =	vst.idx.msk $0xffff, v1  }
0x96: {  	v1 =	vld [tilespmem:s18+$0xFFFFFDE0]  }
0x97: {  	v2 =	vld [tilespmem:s18+$0xFFFFFE60];
	_ =	sdelay $0x1  }
0x98: {  	v3 =	vld [tilespmem:s18+$0xFFFFFEE0];
	_ =	sdelay $0x1  }
0x99: {  	v4 =	vld [tilespmem:s18+$0xFFFFFF60]  }
0x9a: {  	v1 =	vadd.f32 v2, v1  }
0x9b: {  	v2 =	vld [tilespmem:s18+$0xFFFFFFE0]  }
0x9c: {  	v1 =	vadd.f32 v3, v1  }
0x9d: {  	v3 =	vld [tilespmem:s18+$0x60]  }
0x9e: {  	v1 =	vadd.f32 v4, v1  }
0x9f: {  	v4 =	vld [tilespmem:s18+$0xE0]  }
0xa0: {  	v1 =	vadd.f32 v2, v1  }
0xa1: {  	v2 =	vld [tilespmem:s18+$0x160]  }
0xa2: {  	v1 =	vadd.f32 v3, v1  }
0xa3: {  	v3 =	vld [tilespmem:s18+$0x1E0]  }
0xa4: {  	v1 =	vadd.f32 v4, v1  }
0xa5: {  	v4 =	vld [tilespmem:s18+$0x260]  }
0xa6: {  	v1 =	vadd.f32 v2, v1;
	_ =	sdelay $0x1  }
0xa7: {  	v1 =	vadd.f32 v3, v1;
	_ =	sdelay $0x1  }
0xa8: {  	v1 =	vadd.f32 v4, v1;
	_ =	sdelay $0x1  }
0xa9: {  	v1 =	vmul.f32 $1.000000010e-01, v1;
	_ =	sdelay $0x1  }
0xaa: {  	[tilespmem:v0+s19+$0x20 ss:$0x1] =	vst.idx.msk $0xffff, v1  }
0xab: {  	v1 =	vld [tilespmem:s18+$0xFFFFFDF0]  }
0xac: {  	v2 =	vld [tilespmem:s18+$0xFFFFFE70];
	_ =	sdelay $0x1  }
0xad: {  	v3 =	vld [tilespmem:s18+$0xFFFFFEF0];
	_ =	sdelay $0x1  }
0xae: {  	v4 =	vld [tilespmem:s18+$0xFFFFFF70]  }
0xaf: {  	v1 =	vadd.f32 v2, v1  }
0xb0: {  	v2 =	vld [tilespmem:s18+$0xFFFFFFF0]  }
0xb1: {  	v1 =	vadd.f32 v3, v1  }
0xb2: {  	v5 =	vld [tilespmem:s18+$0x70]  }
0xb3: {  	v1 =	vadd.f32 v4, v1  }
0xb4: {  	v4 =	vld [tilespmem:s18+$0xF0]  }
0xb5: {  	v1 =	vadd.f32 v2, v1  }
0xb6: {  	v3 =	vld [tilespmem:s18+$0x170]  }
0xb7: {  	v5 =	vadd.f32 v5, v1  }
0xb8: {  	v2 =	vld [tilespmem:s18+$0x1F0]  }
0xb9: {  	s20 =	simm.s32 $0x200;
	v1 =	vld [tilespmem:s18+$0x270];
	v4 =	vadd.f32 v4, v5  }
.LBB2_3:
0xba: {  	p0 =	sne.s32 s20, $0x2600  }
0xbb: {  	s18 =	sadd.s32 $0x500, s18;
	s21 =	smov.u32 s20;
	s20 =	sadd.s32 $0x200, s20;
	v3 =	vadd.f32 v3, v4  }
0xbc: {  	_ = 	snop  }
0xbd: {  	v2 =	vadd.f32 v2, v3;
	_ =	sdelay $0x1  }
0xbe: {  	v1 =	vadd.f32 v1, v2;
	_ =	sdelay $0x1  }
0xbf: {  	v1 =	vmul.f32 $1.000000010e-01, v1;
	_ =	sdelay $0x1  }
0xc0: {  	[tilespmem:v0+s19+$0x30 ss:$0x1] =	vst.idx.msk $0xffff, v1  }
0xc1: {  	v1 =	vld [tilespmem:s18+$0xFFFFFE00]  }
0xc2: {  	v2 =	vld [tilespmem:s18+$0xFFFFFD80]  }
0xc3: {  	v3 =	vld [tilespmem:s18+$0xFFFFFE80];
	_ =	sdelay $0x2  }
0xc4: {  	v4 =	vld [tilespmem:s18+$0xFFFFFF00]  }
0xc5: {  	v1 =	vadd.f32 v1, v2  }
0xc6: {  	v2 =	vld [tilespmem:s18+$0xFFFFFF80]  }
0xc7: {  	v1 =	vadd.f32 v3, v1  }
0xc8: {  	v3 =	vld [tilespmem:s18+$0x0]  }
0xc9: {  	v1 =	vadd.f32 v4, v1  }
0xca: {  	v4 =	vld [tilespmem:s18+$0x80]  }
0xcb: {  	v1 =	vadd.f32 v2, v1  }
0xcc: {  	v2 =	vld [tilespmem:s18+$0x100]  }
0xcd: {  	v1 =	vadd.f32 v3, v1  }
0xce: {  	v3 =	vld [tilespmem:s18+$0x180]  }
0xcf: {  	v1 =	vadd.f32 v4, v1  }
0xd0: {  	v4 =	vld [tilespmem:s18+$0x200]  }
0xd1: {  	v1 =	vadd.f32 v2, v1;
	_ =	sdelay $0x1  }
0xd2: {  	v1 =	vadd.f32 v3, v1;
	_ =	sdelay $0x1  }
0xd3: {  	v1 =	vadd.f32 v4, v1;
	_ =	sdelay $0x1  }
0xd4: {  	v1 =	vmul.f32 $1.000000010e-01, v1  }
0xd5: {  	s19 =	sshra.s32 s21, $0x2  }
0xd6: {  	[tilespmem:v0+s19+$0xFFFFFFC0 ss:$0x1] =	vst.idx.msk $0xffff, v1  }
0xd7: {  	v1 =	vld [tilespmem:s18+$0xFFFFFD90]  }
0xd8: {  	v2 =	vld [tilespmem:s18+$0xFFFFFE10];
	_ =	sdelay $0x1  }
0xd9: {  	v3 =	vld [tilespmem:s18+$0xFFFFFE90];
	_ =	sdelay $0x1  }
0xda: {  	v4 =	vld [tilespmem:s18+$0xFFFFFF10]  }
0xdb: {  	v1 =	vadd.f32 v2, v1  }
0xdc: {  	v2 =	vld [tilespmem:s18+$0xFFFFFF90]  }
0xdd: {  	v1 =	vadd.f32 v3, v1  }
0xde: {  	v3 =	vld [tilespmem:s18+$0x10]  }
0xdf: {  	v1 =	vadd.f32 v4, v1  }
0xe0: {  	v4 =	vld [tilespmem:s18+$0x90]  }
0xe1: {  	v1 =	vadd.f32 v2, v1  }
0xe2: {  	v2 =	vld [tilespmem:s18+$0x110]  }
0xe3: {  	v1 =	vadd.f32 v3, v1  }
0xe4: {  	v3 =	vld [tilespmem:s18+$0x190]  }
0xe5: {  	v1 =	vadd.f32 v4, v1  }
0xe6: {  	v4 =	vld [tilespmem:s18+$0x210]  }
0xe7: {  	v1 =	vadd.f32 v2, v1;
	_ =	sdelay $0x1  }
0xe8: {  	v1 =	vadd.f32 v3, v1;
	_ =	sdelay $0x1  }
0xe9: {  	v1 =	vadd.f32 v4, v1;
	_ =	sdelay $0x1  }
0xea: {  	v1 =	vmul.f32 $1.000000010e-01, v1;
	_ =	sdelay $0x1  }
0xeb: {  	[tilespmem:v0+s19+$0xFFFFFFD0 ss:$0x1] =	vst.idx.msk $0xffff, v1  }
0xec: {  	v1 =	vld [tilespmem:s18+$0xFFFFFDA0]  }
0xed: {  	v2 =	vld [tilespmem:s18+$0xFFFFFE20];
	_ =	sdelay $0x1  }
0xee: {  	v3 =	vld [tilespmem:s18+$0xFFFFFEA0];
	_ =	sdelay $0x1  }
0xef: {  	v4 =	vld [tilespmem:s18+$0xFFFFFF20]  }
0xf0: {  	v1 =	vadd.f32 v2, v1  }
0xf1: {  	v2 =	vld [tilespmem:s18+$0xFFFFFFA0]  }
0xf2: {  	v1 =	vadd.f32 v3, v1  }
0xf3: {  	v3 =	vld [tilespmem:s18+$0x20]  }
0xf4: {  	v1 =	vadd.f32 v4, v1  }
0xf5: {  	v4 =	vld [tilespmem:s18+$0xA0]  }
0xf6: {  	v1 =	vadd.f32 v2, v1  }
0xf7: {  	v2 =	vld [tilespmem:s18+$0x120]  }
0xf8: {  	v1 =	vadd.f32 v3, v1  }
0xf9: {  	v3 =	vld [tilespmem:s18+$0x1A0]  }
0xfa: {  	v1 =	vadd.f32 v4, v1  }
0xfb: {  	v4 =	vld [tilespmem:s18+$0x220]  }
0xfc: {  	v1 =	vadd.f32 v2, v1;
	_ =	sdelay $0x1  }
0xfd: {  	v1 =	vadd.f32 v3, v1;
	_ =	sdelay $0x1  }
0xfe: {  	v1 =	vadd.f32 v4, v1;
	_ =	sdelay $0x1  }
0xff: {  	v1 =	vmul.f32 $1.000000010e-01, v1;
	_ =	sdelay $0x1  }
0x100: {  	[tilespmem:v0+s19+$0xFFFFFFE0 ss:$0x1] =	vst.idx.msk $0xffff, v1  }
0x101: {  	v1 =	vld [tilespmem:s18+$0xFFFFFDB0]  }
0x102: {  	v2 =	vld [tilespmem:s18+$0xFFFFFE30];
	_ =	sdelay $0x1  }
0x103: {  	v3 =	vld [tilespmem:s18+$0xFFFFFEB0];
	_ =	sdelay $0x1  }
0x104: {  	v4 =	vld [tilespmem:s18+$0xFFFFFF30]  }
0x105: {  	v1 =	vadd.f32 v2, v1  }
0x106: {  	v2 =	vld [tilespmem:s18+$0xFFFFFFB0]  }
0x107: {  	v1 =	vadd.f32 v3, v1  }
0x108: {  	v3 =	vld [tilespmem:s18+$0x30]  }
0x109: {  	v1 =	vadd.f32 v4, v1  }
0x10a: {  	v4 =	vld [tilespmem:s18+$0xB0]  }
0x10b: {  	v1 =	vadd.f32 v2, v1  }
0x10c: {  	v2 =	vld [tilespmem:s18+$0x130]  }
0x10d: {  	v1 =	vadd.f32 v3, v1  }
0x10e: {  	v3 =	vld [tilespmem:s18+$0x1B0]  }
0x10f: {  	v1 =	vadd.f32 v4, v1  }
0x110: {  	v4 =	vld [tilespmem:s18+$0x230]  }
0x111: {  	v1 =	vadd.f32 v2, v1;
	_ =	sdelay $0x1  }
0x112: {  	v1 =	vadd.f32 v3, v1;
	_ =	sdelay $0x1  }
0x113: {  	v1 =	vadd.f32 v4, v1;
	_ =	sdelay $0x1  }
0x114: {  	v1 =	vmul.f32 $1.000000010e-01, v1;
	_ =	sdelay $0x1  }
0x115: {  	[tilespmem:v0+s19+$0xFFFFFFF0 ss:$0x1] =	vst.idx.msk $0xffff, v1  }
0x116: {  	v1 =	vld [tilespmem:s18+$0xFFFFFDC0]  }
0x117: {  	v2 =	vld [tilespmem:s18+$0xFFFFFE40];
	_ =	sdelay $0x1  }
0x118: {  	v3 =	vld [tilespmem:s18+$0xFFFFFEC0];
	_ =	sdelay $0x1  }
0x119: {  	v4 =	vld [tilespmem:s18+$0xFFFFFF40]  }
0x11a: {  	v1 =	vadd.f32 v2, v1  }
0x11b: {  	v2 =	vld [tilespmem:s18+$0xFFFFFFC0]  }
0x11c: {  	v1 =	vadd.f32 v3, v1  }
0x11d: {  	v3 =	vld [tilespmem:s18+$0x40]  }
0x11e: {  	v1 =	vadd.f32 v4, v1  }
0x11f: {  	v4 =	vld [tilespmem:s18+$0xC0]  }
0x120: {  	v1 =	vadd.f32 v2, v1  }
0x121: {  	v2 =	vld [tilespmem:s18+$0x140]  }
0x122: {  	v1 =	vadd.f32 v3, v1  }
0x123: {  	v3 =	vld [tilespmem:s18+$0x1C0]  }
0x124: {  	v1 =	vadd.f32 v4, v1  }
0x125: {  	v4 =	vld [tilespmem:s18+$0x240]  }
0x126: {  	v1 =	vadd.f32 v2, v1;
	_ =	sdelay $0x1  }
0x127: {  	v1 =	vadd.f32 v3, v1;
	_ =	sdelay $0x1  }
0x128: {  	v1 =	vadd.f32 v4, v1;
	_ =	sdelay $0x1  }
0x129: {  	v1 =	vmul.f32 $1.000000010e-01, v1;
	_ =	sdelay $0x1  }
0x12a: {  	[tilespmem:v0+s19+$0x0 ss:$0x1] =	vst.idx.msk $0xffff, v1  }
0x12b: {  	v1 =	vld [tilespmem:s18+$0xFFFFFDD0]  }
0x12c: {  	v2 =	vld [tilespmem:s18+$0xFFFFFE50]  }
0x12d: {  	v3 =	vld [tilespmem:s18+$0xFFFFFED0]  }
0x12e: {  	v4 =	vld [tilespmem:s18+$0xFFFFFF50]  }
0x12f: {  	v5 =	vld [tilespmem:s18+$0xFFFFFFD0]  }
0x130: {  	v6 =	vld [tilespmem:s18+$0x50]  }
0x131: {  	v1 =	vadd.f32 v2, v1;
	v2 =	vld [tilespmem:s18+$0xD0]  }
0x132: {  	v7 =	vld [tilespmem:s18+$0x150]  }
0x133: {  	v1 =	vadd.f32 v3, v1;
	v3 =	vld [tilespmem:s18+$0x1D0]  }
0x134: {  	v8 =	vld [tilespmem:s18+$0x250]  }
0x135: {  	v1 =	vadd.f32 v4, v1;
	_ =	sdelay $0x1  }
0x136: {  	v1 =	vadd.f32 v5, v1;
	_ =	sdelay $0x1  }
0x137: {  	v1 =	vadd.f32 v6, v1;
	_ =	sdelay $0x1  }
0x138: {  	v1 =	vadd.f32 v2, v1;
	_ =	sdelay $0x1  }
0x139: {  	v1 =	vadd.f32 v7, v1;
	_ =	sdelay $0x1  }
0x13a: {  	v1 =	vadd.f32 v3, v1;
	_ =	sdelay $0x1  }
0x13b: {  	v1 =	vadd.f32 v8, v1;
	_ =	sdelay $0x1  }
0x13c: {  	v1 =	vmul.f32 $1.000000010e-01, v1;
	_ =	sdelay $0x1  }
0x13d: {  	[tilespmem:v0+s19+$0x10 ss:$0x1] =	vst.idx.msk $0xffff, v1  }
0x13e: {  	v1 =	vld [tilespmem:s18+$0xFFFFFDE0]  }
0x13f: {  	v2 =	vld [tilespmem:s18+$0xFFFFFE60]  }
0x140: {  	v3 =	vld [tilespmem:s18+$0xFFFFFEE0]  }
0x141: {  	v4 =	vld [tilespmem:s18+$0xFFFFFF60]  }
0x142: {  	v5 =	vld [tilespmem:s18+$0xFFFFFFE0]  }
0x143: {  	v6 =	vld [tilespmem:s18+$0x60]  }
0x144: {  	v1 =	vadd.f32 v2, v1;
	v2 =	vld [tilespmem:s18+$0xE0]  }
0x145: {  	v7 =	vld [tilespmem:s18+$0x160]  }
0x146: {  	v1 =	vadd.f32 v3, v1;
	v3 =	vld [tilespmem:s18+$0x1E0]  }
0x147: {  	v8 =	vld [tilespmem:s18+$0x260]  }
0x148: {  	v1 =	vadd.f32 v4, v1;
	_ =	sdelay $0x1  }
0x149: {  	v1 =	vadd.f32 v5, v1;
	_ =	sdelay $0x1  }
0x14a: {  	v1 =	vadd.f32 v6, v1;
	_ =	sdelay $0x1  }
0x14b: {  	v1 =	vadd.f32 v2, v1;
	_ =	sdelay $0x1  }
0x14c: {  	v1 =	vadd.f32 v7, v1;
	_ =	sdelay $0x1  }
0x14d: {  	v1 =	vadd.f32 v3, v1;
	_ =	sdelay $0x1  }
0x14e: {  	v1 =	vadd.f32 v8, v1;
	_ =	sdelay $0x1  }
0x14f: {  	v1 =	vmul.f32 $1.000000010e-01, v1;
	_ =	sdelay $0x1  }
0x150: {  	[tilespmem:v0+s19+$0x20 ss:$0x1] =	vst.idx.msk $0xffff, v1  }
0x151: {  	v1 =	vld [tilespmem:s18+$0xFFFFFDF0]  }
0x152: {  	v2 =	vld [tilespmem:s18+$0xFFFFFE70]  }
0x153: {  	v4 =	vld [tilespmem:s18+$0xFFFFFEF0]  }
0x154: {  	v5 =	vld [tilespmem:s18+$0xFFFFFF70]  }
0x155: {  	v6 =	vld [tilespmem:s18+$0xFFFFFFF0]  }
0x156: {  	v7 =	vld [tilespmem:s18+$0x70]  }
0x157: {  	v1 =	vadd.f32 v2, v1;
	v8 =	vld [tilespmem:s18+$0xF0]  }
0x158: {  	v3 =	vld [tilespmem:s18+$0x170]  }
0x159: {  	v4 =	vadd.f32 v4, v1;
	v2 =	vld [tilespmem:s18+$0x1F0]  }
0x15a: {  	v1 =	vld [tilespmem:s18+$0x270]  }
0x15b: {  	v4 =	vadd.f32 v5, v4;
	_ =	sdelay $0x1  }
.Ltmp0:
0x15c: {  	v4 =	vadd.f32 v6, v4;
	(pc) =	sbr.rel @p0 .LBB2_3-.Ltmp0, $3  }
0x15d: {  	_ = 	snop  }
0x15e: {  	v4 =	vadd.f32 v7, v4;
	_ =	sdelay $0x1  }
0x15f: {  	v4 =	vadd.f32 v8, v4  }
0x160: {  	_ = 	snop  }
0x161: {  	v3 =	vadd.f32 v3, v4;
	_ =	sdelay $0x1  }
0x162: {  	v2 =	vadd.f32 v2, v3  }
0x163: {  	p0 =	seq.s32 s17, $0x7  }
0x164: {  	s18 =	smul.u32 @!p0 $0x190, s17;
	v1 =	vadd.f32 v1, v2;
	_ =	sdelay $0x1  }
0x165: {  	s18 =	sadd.s32 @!p0 s18, s6;
	v1 =	vmul.f32 $1.000000010e-01, v1  }
0x166: {  	s18 =	sshll.u32 @!p0 s18, $0x4  }
0x167: {  	s18 =	sadd.s32 @!p0 s2, s18;
	[tilespmem:v0+s19+$0x30 ss:$0x1] =	vst.idx.msk $0xffff, v1;
	s19 =	simm.s32 @!p0 $0x0  }
0x168: {  	[tilespmem:s19], [sflag:$0x1] =	stream.linear.gather @!p0 [hbm4b:s18+s19], $0x6400, $0x38;
	[tilespmem:$0x16800] =	vst v63  }
0x169: {  	_ =	swait.ge [sflag:s11], $0x6400  }
0x16a: {  	[sflag:s11] =	ssyncset.done $0x0  }
0x16b: {  	s18 =	simm.s32 $0x6680;
	[sflag:s11] =	ssyncadd.s32 $0xFFFF9C00  }
0x16c: {  	v0 =	vld [tilespmem:s18+$0xFFFFFE00]  }
0x16d: {  	v1 =	vld [tilespmem:s18+$0xFFFFFD80];
	_ =	sdelay $0x1  }
0x16e: {  	v2 =	vld [tilespmem:s18+$0xFFFFFE80];
	_ =	sdelay $0x1  }
0x16f: {  	v3 =	vld [tilespmem:s18+$0xFFFFFF00]  }
0x170: {  	v0 =	vadd.f32 v0, v1  }
0x171: {  	v1 =	vld [tilespmem:s18+$0xFFFFFF80]  }
0x172: {  	v0 =	vadd.f32 v2, v0  }
0x173: {  	v2 =	vld [tilespmem:s18+$0x0]  }
0x174: {  	v0 =	vadd.f32 v3, v0  }
0x175: {  	v3 =	vld [tilespmem:s18+$0x80]  }
0x176: {  	v0 =	vadd.f32 v1, v0  }
0x177: {  	v1 =	vld [tilespmem:s18+$0x100]  }
0x178: {  	v0 =	vadd.f32 v2, v0  }
0x179: {  	v2 =	vld [tilespmem:s18+$0x180]  }
0x17a: {  	v0 =	vadd.f32 v3, v0  }
0x17b: {  	v3 =	vld [tilespmem:s18+$0x200]  }
0x17c: {  	v0 =	vadd.f32 v1, v0;
	_ =	sdelay $0x1  }
0x17d: {  	v1 =	vadd.f32 v2, v0  }
0x17e: {  	v0 =	vmov s16  }
0x17f: {  	v1 =	vadd.f32 v3, v1;
	_ =	sdelay $0x1  }
0x180: {  	v1 =	vmul.f32 $1.000000010e-01, v1  }
0x181: {  	s19 =	simm.s32 $0x0  }
0x182: {  	[tilespmem:v0+s19+$0xFFFFFF90 ss:$0x1] =	vst.idx.msk $0xffff, v1  }
0x183: {  	v1 =	vld [tilespmem:s18+$0xFFFFFD90]  }
0x184: {  	v2 =	vld [tilespmem:s18+$0xFFFFFE10];
	_ =	sdelay $0x1  }
0x185: {  	v3 =	vld [tilespmem:s18+$0xFFFFFE90];
	_ =	sdelay $0x1  }
0x186: {  	v4 =	vld [tilespmem:s18+$0xFFFFFF10]  }
0x187: {  	v1 =	vadd.f32 v2, v1  }
0x188: {  	v2 =	vld [tilespmem:s18+$0xFFFFFF90]  }
0x189: {  	v1 =	vadd.f32 v3, v1  }
0x18a: {  	v3 =	vld [tilespmem:s18+$0x10]  }
0x18b: {  	v1 =	vadd.f32 v4, v1  }
0x18c: {  	v4 =	vld [tilespmem:s18+$0x90]  }
0x18d: {  	v1 =	vadd.f32 v2, v1  }
0x18e: {  	v2 =	vld [tilespmem:s18+$0x110]  }
0x18f: {  	v1 =	vadd.f32 v3, v1  }
0x190: {  	v3 =	vld [tilespmem:s18+$0x190]  }
0x191: {  	v1 =	vadd.f32 v4, v1  }
0x192: {  	v4 =	vld [tilespmem:s18+$0x210]  }
0x193: {  	v1 =	vadd.f32 v2, v1;
	_ =	sdelay $0x1  }
0x194: {  	v1 =	vadd.f32 v3, v1;
	_ =	sdelay $0x1  }
0x195: {  	v1 =	vadd.f32 v4, v1;
	_ =	sdelay $0x1  }
0x196: {  	v1 =	vmul.f32 $1.000000010e-01, v1;
	_ =	sdelay $0x1  }
0x197: {  	[tilespmem:v0+s19+$0xFFFFFFA0 ss:$0x1] =	vst.idx.msk $0xffff, v1  }
0x198: {  	v1 =	vld [tilespmem:s18+$0xFFFFFDA0]  }
0x199: {  	v2 =	vld [tilespmem:s18+$0xFFFFFE20];
	_ =	sdelay $0x1  }
0x19a: {  	v3 =	vld [tilespmem:s18+$0xFFFFFEA0];
	_ =	sdelay $0x1  }
0x19b: {  	v4 =	vld [tilespmem:s18+$0xFFFFFF20]  }
0x19c: {  	v1 =	vadd.f32 v2, v1  }
0x19d: {  	v2 =	vld [tilespmem:s18+$0xFFFFFFA0]  }
0x19e: {  	v1 =	vadd.f32 v3, v1  }
0x19f: {  	v3 =	vld [tilespmem:s18+$0x20]  }
0x1a0: {  	v1 =	vadd.f32 v4, v1  }
0x1a1: {  	v4 =	vld [tilespmem:s18+$0xA0]  }
0x1a2: {  	v1 =	vadd.f32 v2, v1  }
0x1a3: {  	v2 =	vld [tilespmem:s18+$0x120]  }
0x1a4: {  	v1 =	vadd.f32 v3, v1  }
0x1a5: {  	v3 =	vld [tilespmem:s18+$0x1A0]  }
0x1a6: {  	v1 =	vadd.f32 v4, v1  }
0x1a7: {  	v4 =	vld [tilespmem:s18+$0x220]  }
0x1a8: {  	v1 =	vadd.f32 v2, v1;
	_ =	sdelay $0x1  }
0x1a9: {  	v1 =	vadd.f32 v3, v1;
	_ =	sdelay $0x1  }
0x1aa: {  	v1 =	vadd.f32 v4, v1;
	_ =	sdelay $0x1  }
0x1ab: {  	v1 =	vmul.f32 $1.000000010e-01, v1;
	_ =	sdelay $0x1  }
0x1ac: {  	[tilespmem:v0+s19+$0xFFFFFFB0 ss:$0x1] =	vst.idx.msk $0xffff, v1  }
0x1ad: {  	v1 =	vld [tilespmem:s18+$0xFFFFFDB0]  }
0x1ae: {  	v2 =	vld [tilespmem:s18+$0xFFFFFE30];
	_ =	sdelay $0x1  }
0x1af: {  	v3 =	vld [tilespmem:s18+$0xFFFFFEB0];
	_ =	sdelay $0x1  }
0x1b0: {  	v4 =	vld [tilespmem:s18+$0xFFFFFF30]  }
0x1b1: {  	v1 =	vadd.f32 v2, v1  }
0x1b2: {  	v2 =	vld [tilespmem:s18+$0xFFFFFFB0]  }
0x1b3: {  	v1 =	vadd.f32 v3, v1  }
0x1b4: {  	v3 =	vld [tilespmem:s18+$0x30]  }
0x1b5: {  	v1 =	vadd.f32 v4, v1  }
0x1b6: {  	v4 =	vld [tilespmem:s18+$0xB0]  }
0x1b7: {  	v1 =	vadd.f32 v2, v1  }
0x1b8: {  	v2 =	vld [tilespmem:s18+$0x130]  }
0x1b9: {  	v1 =	vadd.f32 v3, v1  }
0x1ba: {  	v3 =	vld [tilespmem:s18+$0x1B0]  }
0x1bb: {  	v1 =	vadd.f32 v4, v1  }
0x1bc: {  	v4 =	vld [tilespmem:s18+$0x230]  }
0x1bd: {  	v1 =	vadd.f32 v2, v1;
	_ =	sdelay $0x1  }
0x1be: {  	v1 =	vadd.f32 v3, v1;
	_ =	sdelay $0x1  }
0x1bf: {  	v1 =	vadd.f32 v4, v1;
	_ =	sdelay $0x1  }
0x1c0: {  	v1 =	vmul.f32 $1.000000010e-01, v1;
	_ =	sdelay $0x1  }
0x1c1: {  	[tilespmem:v0+s19+$0xFFFFFFC0 ss:$0x1] =	vst.idx.msk $0xffff, v1  }
0x1c2: {  	v1 =	vld [tilespmem:s18+$0xFFFFFDC0]  }
0x1c3: {  	v2 =	vld [tilespmem:s18+$0xFFFFFE40];
	_ =	sdelay $0x1  }
0x1c4: {  	v3 =	vld [tilespmem:s18+$0xFFFFFEC0];
	_ =	sdelay $0x1  }
0x1c5: {  	v4 =	vld [tilespmem:s18+$0xFFFFFF40]  }
0x1c6: {  	v1 =	vadd.f32 v2, v1  }
0x1c7: {  	v2 =	vld [tilespmem:s18+$0xFFFFFFC0]  }
0x1c8: {  	v1 =	vadd.f32 v3, v1  }
0x1c9: {  	v3 =	vld [tilespmem:s18+$0x40]  }
0x1ca: {  	v1 =	vadd.f32 v4, v1  }
0x1cb: {  	v4 =	vld [tilespmem:s18+$0xC0]  }
0x1cc: {  	v1 =	vadd.f32 v2, v1  }
0x1cd: {  	v2 =	vld [tilespmem:s18+$0x140]  }
0x1ce: {  	v1 =	vadd.f32 v3, v1  }
0x1cf: {  	v3 =	vld [tilespmem:s18+$0x1C0]  }
0x1d0: {  	v1 =	vadd.f32 v4, v1  }
0x1d1: {  	v4 =	vld [tilespmem:s18+$0x240]  }
0x1d2: {  	v1 =	vadd.f32 v2, v1;
	_ =	sdelay $0x1  }
0x1d3: {  	v1 =	vadd.f32 v3, v1;
	_ =	sdelay $0x1  }
0x1d4: {  	v1 =	vadd.f32 v4, v1;
	_ =	sdelay $0x1  }
0x1d5: {  	v1 =	vmul.f32 $1.000000010e-01, v1;
	_ =	sdelay $0x1  }
0x1d6: {  	[tilespmem:v0+s19+$0xFFFFFFD0 ss:$0x1] =	vst.idx.msk $0xffff, v1  }
0x1d7: {  	v1 =	vld [tilespmem:s18+$0xFFFFFDD0]  }
0x1d8: {  	v2 =	vld [tilespmem:s18+$0xFFFFFE50];
	_ =	sdelay $0x1  }
0x1d9: {  	v3 =	vld [tilespmem:s18+$0xFFFFFED0];
	_ =	sdelay $0x1  }
0x1da: {  	v4 =	vld [tilespmem:s18+$0xFFFFFF50]  }
0x1db: {  	v1 =	vadd.f32 v2, v1  }
0x1dc: {  	v2 =	vld [tilespmem:s18+$0xFFFFFFD0]  }
0x1dd: {  	v1 =	vadd.f32 v3, v1  }
0x1de: {  	v3 =	vld [tilespmem:s18+$0x50]  }
0x1df: {  	v1 =	vadd.f32 v4, v1  }
0x1e0: {  	v4 =	vld [tilespmem:s18+$0xD0]  }
0x1e1: {  	v1 =	vadd.f32 v2, v1  }
0x1e2: {  	v2 =	vld [tilespmem:s18+$0x150]  }
0x1e3: {  	v1 =	vadd.f32 v3, v1  }
0x1e4: {  	v3 =	vld [tilespmem:s18+$0x1D0]  }
0x1e5: {  	v1 =	vadd.f32 v4, v1  }
0x1e6: {  	v4 =	vld [tilespmem:s18+$0x250]  }
0x1e7: {  	v1 =	vadd.f32 v2, v1;
	_ =	sdelay $0x1  }
0x1e8: {  	v1 =	vadd.f32 v3, v1;
	_ =	sdelay $0x1  }
0x1e9: {  	v1 =	vadd.f32 v4, v1;
	_ =	sdelay $0x1  }
0x1ea: {  	v1 =	vmul.f32 $1.000000010e-01, v1;
	_ =	sdelay $0x1  }
0x1eb: {  	[tilespmem:v0+s19+$0xFFFFFFE0 ss:$0x1] =	vst.idx.msk $0xffff, v1  }
0x1ec: {  	v1 =	vld [tilespmem:s18+$0xFFFFFDE0]  }
0x1ed: {  	v2 =	vld [tilespmem:s18+$0xFFFFFE60];
	_ =	sdelay $0x1  }
0x1ee: {  	v3 =	vld [tilespmem:s18+$0xFFFFFEE0];
	_ =	sdelay $0x1  }
0x1ef: {  	v4 =	vld [tilespmem:s18+$0xFFFFFF60]  }
0x1f0: {  	v1 =	vadd.f32 v2, v1  }
0x1f1: {  	v2 =	vld [tilespmem:s18+$0xFFFFFFE0]  }
0x1f2: {  	v1 =	vadd.f32 v3, v1  }
0x1f3: {  	v3 =	vld [tilespmem:s18+$0x60]  }
0x1f4: {  	v1 =	vadd.f32 v4, v1  }
0x1f5: {  	v4 =	vld [tilespmem:s18+$0xE0]  }
0x1f6: {  	v1 =	vadd.f32 v2, v1  }
0x1f7: {  	v2 =	vld [tilespmem:s18+$0x160]  }
0x1f8: {  	v1 =	vadd.f32 v3, v1  }
0x1f9: {  	v3 =	vld [tilespmem:s18+$0x1E0]  }
0x1fa: {  	v1 =	vadd.f32 v4, v1  }
0x1fb: {  	v4 =	vld [tilespmem:s18+$0x260]  }
0x1fc: {  	v1 =	vadd.f32 v2, v1;
	_ =	sdelay $0x1  }
0x1fd: {  	v1 =	vadd.f32 v3, v1;
	_ =	sdelay $0x1  }
0x1fe: {  	v1 =	vadd.f32 v4, v1;
	_ =	sdelay $0x1  }
0x1ff: {  	v1 =	vmul.f32 $1.000000010e-01, v1;
	_ =	sdelay $0x1  }
0x200: {  	[tilespmem:v0+s19+$0xFFFFFFF0 ss:$0x1] =	vst.idx.msk $0xffff, v1  }
0x201: {  	v1 =	vld [tilespmem:s18+$0xFFFFFDF0]  }
0x202: {  	v2 =	vld [tilespmem:s18+$0xFFFFFE70];
	_ =	sdelay $0x1  }
0x203: {  	v3 =	vld [tilespmem:s18+$0xFFFFFEF0];
	_ =	sdelay $0x1  }
0x204: {  	v4 =	vld [tilespmem:s18+$0xFFFFFF70]  }
0x205: {  	v1 =	vadd.f32 v2, v1  }
0x206: {  	v2 =	vld [tilespmem:s18+$0xFFFFFFF0]  }
0x207: {  	v1 =	vadd.f32 v3, v1  }
0x208: {  	v5 =	vld [tilespmem:s18+$0x70]  }
0x209: {  	v1 =	vadd.f32 v4, v1  }
0x20a: {  	v4 =	vld [tilespmem:s18+$0xF0]  }
0x20b: {  	v1 =	vadd.f32 v2, v1  }
0x20c: {  	v3 =	vld [tilespmem:s18+$0x170]  }
0x20d: {  	v5 =	vadd.f32 v5, v1  }
0x20e: {  	v1 =	vld [tilespmem:s18+$0x1F0]  }
0x20f: {  	s20 =	simm.s32 $0x200;
	v2 =	vld [tilespmem:s18+$0x270];
	v4 =	vadd.f32 v4, v5  }
.LBB2_5:
0x210: {  	p0 =	sne.s32 s20, $0x2600  }
0x211: {  	s18 =	sadd.s32 $0x500, s18;
	s21 =	smov.u32 s20;
	s20 =	sadd.s32 $0x200, s20;
	v3 =	vadd.f32 v3, v4  }
0x212: {  	_ = 	snop  }
0x213: {  	v1 =	vadd.f32 v1, v3;
	_ =	sdelay $0x1  }
0x214: {  	v1 =	vadd.f32 v2, v1;
	_ =	sdelay $0x1  }
0x215: {  	v1 =	vmul.f32 $1.000000010e-01, v1;
	_ =	sdelay $0x1  }
0x216: {  	[tilespmem:v0+s19+$0x0 ss:$0x1] =	vst.idx.msk $0xffff, v1  }
0x217: {  	v1 =	vld [tilespmem:s18+$0xFFFFFE00]  }
0x218: {  	v2 =	vld [tilespmem:s18+$0xFFFFFD80]  }
0x219: {  	v3 =	vld [tilespmem:s18+$0xFFFFFE80];
	_ =	sdelay $0x2  }
0x21a: {  	v4 =	vld [tilespmem:s18+$0xFFFFFF00]  }
0x21b: {  	v1 =	vadd.f32 v1, v2  }
0x21c: {  	v2 =	vld [tilespmem:s18+$0xFFFFFF80]  }
0x21d: {  	v1 =	vadd.f32 v3, v1  }
0x21e: {  	v3 =	vld [tilespmem:s18+$0x0]  }
0x21f: {  	v1 =	vadd.f32 v4, v1  }
0x220: {  	v4 =	vld [tilespmem:s18+$0x80]  }
0x221: {  	v1 =	vadd.f32 v2, v1  }
0x222: {  	v2 =	vld [tilespmem:s18+$0x100]  }
0x223: {  	v1 =	vadd.f32 v3, v1  }
0x224: {  	v3 =	vld [tilespmem:s18+$0x180]  }
0x225: {  	v1 =	vadd.f32 v4, v1  }
0x226: {  	v4 =	vld [tilespmem:s18+$0x200]  }
0x227: {  	v1 =	vadd.f32 v2, v1;
	_ =	sdelay $0x1  }
0x228: {  	v1 =	vadd.f32 v3, v1;
	_ =	sdelay $0x1  }
0x229: {  	v1 =	vadd.f32 v4, v1;
	_ =	sdelay $0x1  }
0x22a: {  	v1 =	vmul.f32 $1.000000010e-01, v1  }
0x22b: {  	s19 =	sshra.s32 s21, $0x2  }
0x22c: {  	[tilespmem:v0+s19+$0xFFFFFF90 ss:$0x1] =	vst.idx.msk $0xffff, v1  }
0x22d: {  	v1 =	vld [tilespmem:s18+$0xFFFFFD90]  }
0x22e: {  	v2 =	vld [tilespmem:s18+$0xFFFFFE10];
	_ =	sdelay $0x1  }
0x22f: {  	v3 =	vld [tilespmem:s18+$0xFFFFFE90];
	_ =	sdelay $0x1  }
0x230: {  	v4 =	vld [tilespmem:s18+$0xFFFFFF10]  }
0x231: {  	v1 =	vadd.f32 v2, v1  }
0x232: {  	v2 =	vld [tilespmem:s18+$0xFFFFFF90]  }
0x233: {  	v1 =	vadd.f32 v3, v1  }
0x234: {  	v3 =	vld [tilespmem:s18+$0x10]  }
0x235: {  	v1 =	vadd.f32 v4, v1  }
0x236: {  	v4 =	vld [tilespmem:s18+$0x90]  }
0x237: {  	v1 =	vadd.f32 v2, v1  }
0x238: {  	v2 =	vld [tilespmem:s18+$0x110]  }
0x239: {  	v1 =	vadd.f32 v3, v1  }
0x23a: {  	v3 =	vld [tilespmem:s18+$0x190]  }
0x23b: {  	v1 =	vadd.f32 v4, v1  }
0x23c: {  	v4 =	vld [tilespmem:s18+$0x210]  }
0x23d: {  	v1 =	vadd.f32 v2, v1;
	_ =	sdelay $0x1  }
0x23e: {  	v1 =	vadd.f32 v3, v1;
	_ =	sdelay $0x1  }
0x23f: {  	v1 =	vadd.f32 v4, v1;
	_ =	sdelay $0x1  }
0x240: {  	v1 =	vmul.f32 $1.000000010e-01, v1;
	_ =	sdelay $0x1  }
0x241: {  	[tilespmem:v0+s19+$0xFFFFFFA0 ss:$0x1] =	vst.idx.msk $0xffff, v1  }
0x242: {  	v1 =	vld [tilespmem:s18+$0xFFFFFDA0]  }
0x243: {  	v2 =	vld [tilespmem:s18+$0xFFFFFE20];
	_ =	sdelay $0x1  }
0x244: {  	v3 =	vld [tilespmem:s18+$0xFFFFFEA0];
	_ =	sdelay $0x1  }
0x245: {  	v4 =	vld [tilespmem:s18+$0xFFFFFF20]  }
0x246: {  	v1 =	vadd.f32 v2, v1  }
0x247: {  	v2 =	vld [tilespmem:s18+$0xFFFFFFA0]  }
0x248: {  	v1 =	vadd.f32 v3, v1  }
0x249: {  	v3 =	vld [tilespmem:s18+$0x20]  }
0x24a: {  	v1 =	vadd.f32 v4, v1  }
0x24b: {  	v4 =	vld [tilespmem:s18+$0xA0]  }
0x24c: {  	v1 =	vadd.f32 v2, v1  }
0x24d: {  	v2 =	vld [tilespmem:s18+$0x120]  }
0x24e: {  	v1 =	vadd.f32 v3, v1  }
0x24f: {  	v3 =	vld [tilespmem:s18+$0x1A0]  }
0x250: {  	v1 =	vadd.f32 v4, v1  }
0x251: {  	v4 =	vld [tilespmem:s18+$0x220]  }
0x252: {  	v1 =	vadd.f32 v2, v1;
	_ =	sdelay $0x1  }
0x253: {  	v1 =	vadd.f32 v3, v1;
	_ =	sdelay $0x1  }
0x254: {  	v1 =	vadd.f32 v4, v1;
	_ =	sdelay $0x1  }
0x255: {  	v1 =	vmul.f32 $1.000000010e-01, v1;
	_ =	sdelay $0x1  }
0x256: {  	[tilespmem:v0+s19+$0xFFFFFFB0 ss:$0x1] =	vst.idx.msk $0xffff, v1  }
0x257: {  	v1 =	vld [tilespmem:s18+$0xFFFFFDB0]  }
0x258: {  	v2 =	vld [tilespmem:s18+$0xFFFFFE30];
	_ =	sdelay $0x1  }
0x259: {  	v3 =	vld [tilespmem:s18+$0xFFFFFEB0];
	_ =	sdelay $0x1  }
0x25a: {  	v4 =	vld [tilespmem:s18+$0xFFFFFF30]  }
0x25b: {  	v1 =	vadd.f32 v2, v1  }
0x25c: {  	v2 =	vld [tilespmem:s18+$0xFFFFFFB0]  }
0x25d: {  	v1 =	vadd.f32 v3, v1  }
0x25e: {  	v3 =	vld [tilespmem:s18+$0x30]  }
0x25f: {  	v1 =	vadd.f32 v4, v1  }
0x260: {  	v4 =	vld [tilespmem:s18+$0xB0]  }
0x261: {  	v1 =	vadd.f32 v2, v1  }
0x262: {  	v2 =	vld [tilespmem:s18+$0x130]  }
0x263: {  	v1 =	vadd.f32 v3, v1  }
0x264: {  	v3 =	vld [tilespmem:s18+$0x1B0]  }
0x265: {  	v1 =	vadd.f32 v4, v1  }
0x266: {  	v4 =	vld [tilespmem:s18+$0x230]  }
0x267: {  	v1 =	vadd.f32 v2, v1;
	_ =	sdelay $0x1  }
0x268: {  	v1 =	vadd.f32 v3, v1;
	_ =	sdelay $0x1  }
0x269: {  	v1 =	vadd.f32 v4, v1;
	_ =	sdelay $0x1  }
0x26a: {  	v1 =	vmul.f32 $1.000000010e-01, v1;
	_ =	sdelay $0x1  }
0x26b: {  	[tilespmem:v0+s19+$0xFFFFFFC0 ss:$0x1] =	vst.idx.msk $0xffff, v1  }
0x26c: {  	v1 =	vld [tilespmem:s18+$0xFFFFFDC0]  }
0x26d: {  	v2 =	vld [tilespmem:s18+$0xFFFFFE40];
	_ =	sdelay $0x1  }
0x26e: {  	v3 =	vld [tilespmem:s18+$0xFFFFFEC0];
	_ =	sdelay $0x1  }
0x26f: {  	v4 =	vld [tilespmem:s18+$0xFFFFFF40]  }
0x270: {  	v1 =	vadd.f32 v2, v1  }
0x271: {  	v2 =	vld [tilespmem:s18+$0xFFFFFFC0]  }
0x272: {  	v1 =	vadd.f32 v3, v1  }
0x273: {  	v3 =	vld [tilespmem:s18+$0x40]  }
0x274: {  	v1 =	vadd.f32 v4, v1  }
0x275: {  	v4 =	vld [tilespmem:s18+$0xC0]  }
0x276: {  	v1 =	vadd.f32 v2, v1  }
0x277: {  	v2 =	vld [tilespmem:s18+$0x140]  }
0x278: {  	v1 =	vadd.f32 v3, v1  }
0x279: {  	v3 =	vld [tilespmem:s18+$0x1C0]  }
0x27a: {  	v1 =	vadd.f32 v4, v1  }
0x27b: {  	v4 =	vld [tilespmem:s18+$0x240]  }
0x27c: {  	v1 =	vadd.f32 v2, v1;
	_ =	sdelay $0x1  }
0x27d: {  	v1 =	vadd.f32 v3, v1;
	_ =	sdelay $0x1  }
0x27e: {  	v1 =	vadd.f32 v4, v1;
	_ =	sdelay $0x1  }
0x27f: {  	v1 =	vmul.f32 $1.000000010e-01, v1;
	_ =	sdelay $0x1  }
0x280: {  	[tilespmem:v0+s19+$0xFFFFFFD0 ss:$0x1] =	vst.idx.msk $0xffff, v1  }
0x281: {  	v1 =	vld [tilespmem:s18+$0xFFFFFDD0]  }
0x282: {  	v2 =	vld [tilespmem:s18+$0xFFFFFE50]  }
0x283: {  	v3 =	vld [tilespmem:s18+$0xFFFFFED0]  }
0x284: {  	v4 =	vld [tilespmem:s18+$0xFFFFFF50]  }
0x285: {  	v5 =	vld [tilespmem:s18+$0xFFFFFFD0]  }
0x286: {  	v6 =	vld [tilespmem:s18+$0x50]  }
0x287: {  	v1 =	vadd.f32 v2, v1;
	v2 =	vld [tilespmem:s18+$0xD0]  }
0x288: {  	v7 =	vld [tilespmem:s18+$0x150]  }
0x289: {  	v1 =	vadd.f32 v3, v1;
	v3 =	vld [tilespmem:s18+$0x1D0]  }
0x28a: {  	v8 =	vld [tilespmem:s18+$0x250]  }
0x28b: {  	v1 =	vadd.f32 v4, v1;
	_ =	sdelay $0x1  }
0x28c: {  	v1 =	vadd.f32 v5, v1;
	_ =	sdelay $0x1  }
0x28d: {  	v1 =	vadd.f32 v6, v1;
	_ =	sdelay $0x1  }
0x28e: {  	v1 =	vadd.f32 v2, v1;
	_ =	sdelay $0x1  }
0x28f: {  	v1 =	vadd.f32 v7, v1;
	_ =	sdelay $0x1  }
0x290: {  	v1 =	vadd.f32 v3, v1;
	_ =	sdelay $0x1  }
0x291: {  	v1 =	vadd.f32 v8, v1;
	_ =	sdelay $0x1  }
0x292: {  	v1 =	vmul.f32 $1.000000010e-01, v1;
	_ =	sdelay $0x1  }
0x293: {  	[tilespmem:v0+s19+$0xFFFFFFE0 ss:$0x1] =	vst.idx.msk $0xffff, v1  }
0x294: {  	v1 =	vld [tilespmem:s18+$0xFFFFFDE0]  }
0x295: {  	v2 =	vld [tilespmem:s18+$0xFFFFFE60]  }
0x296: {  	v3 =	vld [tilespmem:s18+$0xFFFFFEE0]  }
0x297: {  	v4 =	vld [tilespmem:s18+$0xFFFFFF60]  }
0x298: {  	v5 =	vld [tilespmem:s18+$0xFFFFFFE0]  }
0x299: {  	v6 =	vld [tilespmem:s18+$0x60]  }
0x29a: {  	v1 =	vadd.f32 v2, v1;
	v2 =	vld [tilespmem:s18+$0xE0]  }
0x29b: {  	v7 =	vld [tilespmem:s18+$0x160]  }
0x29c: {  	v1 =	vadd.f32 v3, v1;
	v3 =	vld [tilespmem:s18+$0x1E0]  }
0x29d: {  	v8 =	vld [tilespmem:s18+$0x260]  }
0x29e: {  	v1 =	vadd.f32 v4, v1;
	_ =	sdelay $0x1  }
0x29f: {  	v1 =	vadd.f32 v5, v1;
	_ =	sdelay $0x1  }
0x2a0: {  	v1 =	vadd.f32 v6, v1;
	_ =	sdelay $0x1  }
0x2a1: {  	v1 =	vadd.f32 v2, v1;
	_ =	sdelay $0x1  }
0x2a2: {  	v1 =	vadd.f32 v7, v1;
	_ =	sdelay $0x1  }
0x2a3: {  	v1 =	vadd.f32 v3, v1;
	_ =	sdelay $0x1  }
0x2a4: {  	v1 =	vadd.f32 v8, v1;
	_ =	sdelay $0x1  }
0x2a5: {  	v1 =	vmul.f32 $1.000000010e-01, v1;
	_ =	sdelay $0x1  }
0x2a6: {  	[tilespmem:v0+s19+$0xFFFFFFF0 ss:$0x1] =	vst.idx.msk $0xffff, v1  }
0x2a7: {  	v1 =	vld [tilespmem:s18+$0xFFFFFDF0]  }
0x2a8: {  	v2 =	vld [tilespmem:s18+$0xFFFFFE70]  }
0x2a9: {  	v4 =	vld [tilespmem:s18+$0xFFFFFEF0]  }
0x2aa: {  	v5 =	vld [tilespmem:s18+$0xFFFFFF70]  }
0x2ab: {  	v6 =	vld [tilespmem:s18+$0xFFFFFFF0]  }
0x2ac: {  	v7 =	vld [tilespmem:s18+$0x70]  }
0x2ad: {  	v1 =	vadd.f32 v2, v1;
	v8 =	vld [tilespmem:s18+$0xF0]  }
0x2ae: {  	v3 =	vld [tilespmem:s18+$0x170]  }
0x2af: {  	v4 =	vadd.f32 v4, v1;
	v1 =	vld [tilespmem:s18+$0x1F0]  }
0x2b0: {  	v2 =	vld [tilespmem:s18+$0x270]  }
0x2b1: {  	v4 =	vadd.f32 v5, v4;
	_ =	sdelay $0x1  }
.Ltmp1:
0x2b2: {  	v4 =	vadd.f32 v6, v4;
	(pc) =	sbr.rel @p0 .LBB2_5-.Ltmp1, $3  }
0x2b3: {  	_ = 	snop  }
0x2b4: {  	v4 =	vadd.f32 v7, v4;
	_ =	sdelay $0x1  }
0x2b5: {  	v4 =	vadd.f32 v8, v4  }
0x2b6: {  	_ = 	snop  }
0x2b7: {  	v3 =	vadd.f32 v3, v4;
	_ =	sdelay $0x1  }
0x2b8: {  	s17 =	sadd.s32 $0x1, s17;
	v1 =	vadd.f32 v1, v3  }
0x2b9: {  	p0 =	sne.s32 s17, $0x8  }
.Ltmp2:
0x2ba: {  	v1 =	vadd.f32 v2, v1;
	(pc) =	sbr.rel @p0 .LBB2_2-.Ltmp2, $3  }
0x2bb: {  	_ = 	snop  }
0x2bc: {  	v1 =	vmul.f32 $1.000000010e-01, v1;
	_ =	sdelay $0x1  }
0x2bd: {  	s15 =	sadd.s32 $0x1400, s15;
	s16 =	sadd.s32 $0x1400, s16;
	[tilespmem:v0+s19+$0x0 ss:$0x1] =	vst.idx.msk $0xffff, v1  }
0x2be: {  	s14 =	sadd.s32 $0x1, s14  }
0x2bf: {  	p0 =	sne.s32 s14, s8  }
.Ltmp3:
0x2c0: {  	_ = 	snop;
	(pc) =	sbr.rel @p0 .LBB2_1-.Ltmp3, $4  }
0x2c1: {  	[hbm4b:s7+s3] =	stream.linear.scatter [tilespmem:s12], [sflag:$0x3], $0xA000, $0x38;
	[tilespmem:$0x16800] =	vst v63  }
0x2c2: {  	_ =	swait.ge [sflag:s13], $0xA000  }
0x2c3: {  	[sflag:s13] =	ssyncset.done $0x0  }
0x2c4: {  	[sflag:s13] =	ssyncadd.s32 $0xFFFF6000  }
0x2c5: {  	_ =	sfence.sel $0x180000  }
0x2c6: {  	[bflag:$0x0] =	sbarrier.arrive $0xFFFF  }
0x2c7: {  	p0 =	sne.s32 s0, $0x0;
	_ =	strace $0x90000047  }
0x2c8: {  	s0 =	sadd.s32 @!p0 $0x100000, s1;
	[bflag:$0x2] =	sbarrier.arrive $0xFFFF  }
0x2c9: {  	[sflag:s0] =	ssyncadd.tile.s32 @!p0 $0x1;
	_ =	shalt  }
.Lfunc_end2:
_tile_overlayer_lowered:
.L_overlay_start_2:
0x2ca: {  	(tag) =	ssettag $0x2  }
0x2cb: {  	s0 =	rddreg [dreg:$0x0];
	s2 =	stileid.u32  }
0x2cc: {  	s1 =	rddreg [dreg:$0x1];
	p0 =	sne.s32 s2, $0x0  }
0x2cd: {  	s3 =	rddreg [dreg:$0x2];
	[bflag:$0x3] =	sbarrier.arrive $0xFFFF;
	s2 =	simm.s32 @!p0 $0x1C03  }
0x2ce: {  	[timem:s3], [sflag:s2] =	dma.local @!p0 [hbm:s0], s1  }
0x2cf: {  	s0 =	simm.s32 @!p0 $0x3  }
0x2d0: {  	_ =	swait.ge @!p0 [sflag:s0], s1  }
0x2d1: {  	s1 =	ssub.s32 @!p0 $0x0, s1;
	[sflag:s0] =	ssyncset.done @!p0 $0x0  }
0x2d2: {  	[sflag:s0] =	ssyncadd.s32 @!p0 s1  }
0x2d3: {  	[bflag:$0x3] =	sbarrier.arrive $0xFFFF  }
0x2d4: {  	_ =	shalt  }

</sc_bundles>
